<compile_context>
chip_gen: v7x
topology: tpu7x:2x2x1
jax: 0.10.2.dev20260603
libtpu: 0.0.44.dev20260713+nightly
codegen_flags: <defaults>
</compile_context>

<pallas_src>
import functools

import jax
import jax.numpy as jnp
from jax import lax
from jax.experimental import pallas as pl
from jax.experimental.pallas import tpu as pltpu
from jax.experimental.pallas import tpu_sc as plsc

NC = 2
NS = 16
NW = NC * NS
L = 16


def _emb_kernel_fn(B, S, D, CH, GB):
    G = CH // GB
    b_per_w = B // NW
    n_chunks = b_per_w // CH
    n_pairs = n_chunks // 2
    seqs_per_chunk = CH // S
    DL = D // L

    def body(tok_hbm, e_hbm, p_hbm, out_hbm,
             p_v, idx0, idx1, row0, row1, gsem0, gsem1, osem0, osem1):
        cid = lax.axis_index("c")
        sid = lax.axis_index("s")
        wid = sid * NC + cid
        base = wid * b_per_w

        pltpu.sync_copy(p_hbm, p_v)

        def fire(ci, idx_v, row_v, sem):
            rbase = base + ci * CH
            pltpu.sync_copy(tok_hbm.at[pl.ds(rbase, CH)], idx_v)
            for j in range(G):
                pltpu.async_copy(
                    e_hbm.at[idx_v.at[pl.ds(j * GB, GB)]],
                    row_v.at[pl.ds(j * GB, GB)],
                    sem,
                )

        def drain_gathers(idx_v, row_v, sem):
            for j in range(G):
                pltpu.make_async_copy(
                    e_hbm.at[idx_v.at[pl.ds(j * GB, GB)]],
                    row_v.at[pl.ds(j * GB, GB)],
                    sem,
                ).wait()

        def add_chunk(row_v):
            def add_row(r, c2):
                pv = [p_v[r, pl.ds(k * L, L)] for k in range(DL)]
                for sq in range(seqs_per_chunk):
                    row = sq * S + r
                    for k in range(DL):
                        sl = pl.ds(k * L, L)
                        row_v[row, sl] = row_v[row, sl] + pv[k]
                return c2

            lax.fori_loop(0, S, add_row, 0)

        SPC = CH // S

        def write(ci, row_v, sem):
            b0 = (base + ci * CH) // S
            for sq in range(SPC):
                pltpu.async_copy(
                    row_v.at[pl.ds(sq * S, S)],
                    out_hbm.at[b0 + sq, :, pl.ds(0, D)],
                    sem,
                )

        def drain_write(row_v, sem):
            for sq in range(SPC):
                pltpu.make_async_copy(
                    row_v.at[pl.ds(sq * S, S)],
                    out_hbm.at[sq, :, pl.ds(0, D)],
                    sem,
                ).wait()

        fire(0, idx0, row0, gsem0)

        def pair_body(it, carry):
            a = 2 * it
            b = a + 1

            @pl.when(it > 0)
            def _():
                drain_write(row1, osem1)

            fire(b, idx1, row1, gsem1)

            drain_gathers(idx0, row0, gsem0)
            add_chunk(row0)
            write(a, row0, osem0)

            @pl.when(it < n_pairs - 1)
            def _():
                drain_write(row0, osem0)
                fire(a + 2, idx0, row0, gsem0)

            drain_gathers(idx1, row1, gsem1)
            add_chunk(row1)
            write(b, row1, osem1)
            return carry

        lax.fori_loop(0, n_pairs, pair_body, 0)
        drain_write(row0, osem0)
        drain_write(row1, osem1)

    return body


@functools.lru_cache(maxsize=None)
def _make_emb_lookup(B, S, D, CH, GB):
    mesh = plsc.VectorSubcoreMesh(core_axis_name="c", subcore_axis_name="s")
    body = _emb_kernel_fn(B, S, D, CH, GB)
    return pl.kernel(
        body,
        out_type=jax.ShapeDtypeStruct((B // S, S, 2 * D), jnp.float32),
        mesh=mesh,
        scratch_types=[
            pltpu.VMEM((S, D), jnp.float32),
            pltpu.VMEM((CH,), jnp.int32),
            pltpu.VMEM((CH,), jnp.int32),
            pltpu.VMEM((CH, D), jnp.float32),
            pltpu.VMEM((CH, D), jnp.float32),
            pltpu.SemaphoreType.DMA,
            pltpu.SemaphoreType.DMA,
            pltpu.SemaphoreType.DMA,
            pltpu.SemaphoreType.DMA,
        ],
        compiler_params=pltpu.CompilerParams(use_tc_tiling_on_sc=False),
    )


def kernel(tokens, E, P):
    batch, seq = tokens.shape
    _, d = E.shape
    B = batch * seq
    tok_flat = tokens.reshape(B).astype(jnp.int32)
    CH = 4 * seq
    GB = 80
    fn = _make_emb_lookup(B, seq, d, CH, GB)
    out128 = fn(tok_flat, E, P)
    return out128[:, :, :d]

# --- scband reference (transcript-rebuilt; emitter-appended) ---
"""Pipeline reference for scband-embedding-layer-84688165143021 (READ-ONLY COPY).

The authoritative reference and input builder live on the scoring server;
editing this copy changes nothing except your own understanding.
"""

import jax, jax.numpy as jnp
import numpy as np

VOCAB = 100000
SEQ_LEN = 200
D = 64
BATCH = 4096

def setup_inputs(seed: int = 0) -> dict:
    key = jax.random.key(seed)
    k1, k2, k3 = jax.random.split(key, 3)
    tokens = jax.random.randint(k1, (BATCH, SEQ_LEN), 0, VOCAB, dtype=jnp.int64 if jax.config.jax_enable_x64 else jnp.int32)
    E = jax.random.normal(k2, (VOCAB, D), dtype=jnp.float32)
    P = jax.random.normal(k3, (SEQ_LEN, D), dtype=jnp.float32)
    return {"tokens": tokens, "E": E, "P": P}

def reference(tokens, E, P):
    batch_size, seq_len = tokens.shape
    positions = jnp.arange(seq_len)[None, :].repeat(batch_size, axis=0)
    X = jnp.take(E, tokens, axis=0) + jnp.take(P, positions, axis=0)
    return X

if __name__ == "__main__":
    import jax
    _d = setup_inputs()
    print(jax.jit(kernel)(*tuple(_d.values())))

</pallas_src>

<mosaic_0001>
#map = affine_map<(d0, d1) -> (0)>
#map1 = affine_map<(d0, d1) -> (0, 0)>
#map2 = affine_map<(d0, d1) -> (0, 0, 0)>
module attributes {stable_mosaic.version = 14 : i64} {
  func.func @body(%arg0: i32, %arg1: i32, %arg2: memref<819200xi32, #tpu.memory_space<hbm>>, %arg3: memref<100000x64xf32, #tpu.memory_space<hbm>>, %arg4: memref<200x64xf32, #tpu.memory_space<hbm>>, %arg5: memref<4096x200x128xf32, #tpu.memory_space<hbm>>, %arg6: memref<200x64xf32, #tpu.memory_space<vmem>>, %arg7: memref<800xi32, #tpu.memory_space<vmem>>, %arg8: memref<800xi32, #tpu.memory_space<vmem>>, %arg9: memref<800x64xf32, #tpu.memory_space<vmem>>, %arg10: memref<800x64xf32, #tpu.memory_space<vmem>>, %arg11: memref<!tpu.dma_semaphore, #tpu.memory_space<semaphore_mem>>, %arg12: memref<!tpu.dma_semaphore, #tpu.memory_space<semaphore_mem>>, %arg13: memref<!tpu.dma_semaphore, #tpu.memory_space<semaphore_mem>>, %arg14: memref<!tpu.dma_semaphore, #tpu.memory_space<semaphore_mem>>) attributes {dimension_semantics = [#tpu.dimension_semantics<core_parallel>, #tpu.dimension_semantics<subcore_parallel>], iteration_bounds = array<i64: 2, 16>, scalar_prefetch = 0 : i64, scratch_operands = 9 : i64, tpu.core_type = #tpu.core_type<sc_vector_subcore>, window_params = [{transform_indices = #map}, {transform_indices = #map1}, {transform_indices = #map1}, {transform_indices = #map2}]} {
    %mul3A = arith.constant 2 : i32
    %mul3A_0 = arith.muli %arg1, %mul3A : i32
    %add3A = arith.addi %mul3A_0, %arg0 : i32
    %mul3A_1 = arith.constant 25600 : i32
    %mul3A_2 = arith.muli %add3A, %mul3A_1 : i32
    "tpu.region"() ({
      %run_scoped3A = tpu.sem_alloc : memref<!tpu.dma_semaphore, #tpu.memory_space<semaphore_mem>>
      tpu.enqueue_dma source(%arg4 : memref<200x64xf32, #tpu.memory_space<hbm>>) target(%arg6 : memref<200x64xf32, #tpu.memory_space<vmem>>) target_semaphore(%run_scoped3A : memref<!tpu.dma_semaphore, #tpu.memory_space<semaphore_mem>>)
      tpu.wait_dma2 semaphore(%run_scoped3A : memref<!tpu.dma_semaphore, #tpu.memory_space<semaphore_mem>>) src(%arg4 : memref<200x64xf32, #tpu.memory_space<hbm>>) dst(%arg6 : memref<200x64xf32, #tpu.memory_space<vmem>>)
      tpu.yield
    }) : () -> ()
    %add3A_3 = arith.constant 0 : i32
    %add3A_4 = arith.addi %mul3A_2, %add3A_3 : i32
    "tpu.region"() ({
      %run_scoped3A = tpu.sem_alloc : memref<!tpu.dma_semaphore, #tpu.memory_space<semaphore_mem>>
      %dma_start3A_208 = tpu.memref_slice %arg2[%add3A_4] : memref<819200xi32, #tpu.memory_space<hbm>> -> memref<800xi32, #tpu.memory_space<hbm>>
      %dma_start3A_209 = tpu.memref_slice %arg2[%add3A_4] : memref<819200xi32, #tpu.memory_space<hbm>> -> memref<800xi32, #tpu.memory_space<hbm>>
      tpu.enqueue_dma source(%dma_start3A_209 : memref<800xi32, #tpu.memory_space<hbm>>) target(%arg7 : memref<800xi32, #tpu.memory_space<vmem>>) target_semaphore(%run_scoped3A : memref<!tpu.dma_semaphore, #tpu.memory_space<semaphore_mem>>)
      %dma_wait3A_210 = tpu.memref_slice %arg2[%add3A_4] : memref<819200xi32, #tpu.memory_space<hbm>> -> memref<800xi32, #tpu.memory_space<hbm>>
      %dma_wait3A_211 = tpu.memref_slice %arg2[%add3A_4] : memref<819200xi32, #tpu.memory_space<hbm>> -> memref<800xi32, #tpu.memory_space<hbm>>
      tpu.wait_dma2 semaphore(%run_scoped3A : memref<!tpu.dma_semaphore, #tpu.memory_space<semaphore_mem>>) src(%dma_wait3A_211 : memref<800xi32, #tpu.memory_space<hbm>>) dst(%arg7 : memref<800xi32, #tpu.memory_space<vmem>>)
      tpu.yield
    }) : () -> ()
    %dma_start3A = arith.constant 0 : i32
    %dma_start3A_5 = arith.constant 0 : i32
    %dma_start3A_6 = tpu.memref_slice %arg9[%dma_start3A, %dma_start3A_5] : memref<800x64xf32, #tpu.memory_space<vmem>> -> memref<80x64xf32, #tpu.memory_space<vmem>>
    %dma_start3A_7 = arith.constant 0 : i32
    %dma_start3A_8 = tpu.memref_slice %arg7[%dma_start3A_7] : memref<800xi32, #tpu.memory_space<vmem>> -> memref<80xi32, #tpu.memory_space<vmem>>
    %dma_start3A_9 = arith.constant 0 : i32
    %dma_start3A_10 = arith.constant 0 : i32
    %dma_start3A_11 = tpu.memref_slice %arg3[%dma_start3A_9, %dma_start3A_10] : memref<100000x64xf32, #tpu.memory_space<hbm>> -> memref<100000x64xf32, #tpu.memory_space<hbm>>
    tpu.enqueue_indirect_dma source(%dma_start3A_11 : memref<100000x64xf32, #tpu.memory_space<hbm>>) target(%dma_start3A_6 : memref<80x64xf32, #tpu.memory_space<vmem>>) offsets(%dma_start3A_8 : memref<80xi32, #tpu.memory_space<vmem>>) semaphore(%arg11 : memref<!tpu.dma_semaphore, #tpu.memory_space<semaphore_mem>>)
    %dma_start3A_12 = arith.constant 80 : i32
    %dma_start3A_13 = arith.constant 0 : i32
    %dma_start3A_14 = tpu.memref_slice %arg9[%dma_start3A_12, %dma_start3A_13] : memref<800x64xf32, #tpu.memory_space<vmem>> -> memref<80x64xf32, #tpu.memory_space<vmem>>
    %dma_start3A_15 = arith.constant 80 : i32
    %dma_start3A_16 = tpu.memref_slice %arg7[%dma_start3A_15] : memref<800xi32, #tpu.memory_space<vmem>> -> memref<80xi32, #tpu.memory_space<vmem>>
    %dma_start3A_17 = arith.constant 0 : i32
    %dma_start3A_18 = arith.constant 0 : i32
    %dma_start3A_19 = tpu.memref_slice %arg3[%dma_start3A_17, %dma_start3A_18] : memref<100000x64xf32, #tpu.memory_space<hbm>> -> memref<100000x64xf32, #tpu.memory_space<hbm>>
    tpu.enqueue_indirect_dma source(%dma_start3A_19 : memref<100000x64xf32, #tpu.memory_space<hbm>>) target(%dma_start3A_14 : memref<80x64xf32, #tpu.memory_space<vmem>>) offsets(%dma_start3A_16 : memref<80xi32, #tpu.memory_space<vmem>>) semaphore(%arg11 : memref<!tpu.dma_semaphore, #tpu.memory_space<semaphore_mem>>)
    %dma_start3A_20 = arith.constant 160 : i32
    %dma_start3A_21 = arith.constant 0 : i32
    %dma_start3A_22 = tpu.memref_slice %arg9[%dma_start3A_20, %dma_start3A_21] : memref<800x64xf32, #tpu.memory_space<vmem>> -> memref<80x64xf32, #tpu.memory_space<vmem>>
    %dma_start3A_23 = arith.constant 160 : i32
    %dma_start3A_24 = tpu.memref_slice %arg7[%dma_start3A_23] : memref<800xi32, #tpu.memory_space<vmem>> -> memref<80xi32, #tpu.memory_space<vmem>>
    %dma_start3A_25 = arith.constant 0 : i32
    %dma_start3A_26 = arith.constant 0 : i32
    %dma_start3A_27 = tpu.memref_slice %arg3[%dma_start3A_25, %dma_start3A_26] : memref<100000x64xf32, #tpu.memory_space<hbm>> -> memref<100000x64xf32, #tpu.memory_space<hbm>>
    tpu.enqueue_indirect_dma source(%dma_start3A_27 : memref<100000x64xf32, #tpu.memory_space<hbm>>) target(%dma_start3A_22 : memref<80x64xf32, #tpu.memory_space<vmem>>) offsets(%dma_start3A_24 : memref<80xi32, #tpu.memory_space<vmem>>) semaphore(%arg11 : memref<!tpu.dma_semaphore, #tpu.memory_space<semaphore_mem>>)
    %dma_start3A_28 = arith.constant 240 : i32
    %dma_start3A_29 = arith.constant 0 : i32
    %dma_start3A_30 = tpu.memref_slice %arg9[%dma_start3A_28, %dma_start3A_29] : memref<800x64xf32, #tpu.memory_space<vmem>> -> memref<80x64xf32, #tpu.memory_space<vmem>>
    %dma_start3A_31 = arith.constant 240 : i32
    %dma_start3A_32 = tpu.memref_slice %arg7[%dma_start3A_31] : memref<800xi32, #tpu.memory_space<vmem>> -> memref<80xi32, #tpu.memory_space<vmem>>
    %dma_start3A_33 = arith.constant 0 : i32
    %dma_start3A_34 = arith.constant 0 : i32
    %dma_start3A_35 = tpu.memref_slice %arg3[%dma_start3A_33, %dma_start3A_34] : memref<100000x64xf32, #tpu.memory_space<hbm>> -> memref<100000x64xf32, #tpu.memory_space<hbm>>
    tpu.enqueue_indirect_dma source(%dma_start3A_35 : memref<100000x64xf32, #tpu.memory_space<hbm>>) target(%dma_start3A_30 : memref<80x64xf32, #tpu.memory_space<vmem>>) offsets(%dma_start3A_32 : memref<80xi32, #tpu.memory_space<vmem>>) semaphore(%arg11 : memref<!tpu.dma_semaphore, #tpu.memory_space<semaphore_mem>>)
    %dma_start3A_36 = arith.constant 320 : i32
    %dma_start3A_37 = arith.constant 0 : i32
    %dma_start3A_38 = tpu.memref_slice %arg9[%dma_start3A_36, %dma_start3A_37] : memref<800x64xf32, #tpu.memory_space<vmem>> -> memref<80x64xf32, #tpu.memory_space<vmem>>
    %dma_start3A_39 = arith.constant 320 : i32
    %dma_start3A_40 = tpu.memref_slice %arg7[%dma_start3A_39] : memref<800xi32, #tpu.memory_space<vmem>> -> memref<80xi32, #tpu.memory_space<vmem>>
    %dma_start3A_41 = arith.constant 0 : i32
    %dma_start3A_42 = arith.constant 0 : i32
    %dma_start3A_43 = tpu.memref_slice %arg3[%dma_start3A_41, %dma_start3A_42] : memref<100000x64xf32, #tpu.memory_space<hbm>> -> memref<100000x64xf32, #tpu.memory_space<hbm>>
    tpu.enqueue_indirect_dma source(%dma_start3A_43 : memref<100000x64xf32, #tpu.memory_space<hbm>>) target(%dma_start3A_38 : memref<80x64xf32, #tpu.memory_space<vmem>>) offsets(%dma_start3A_40 : memref<80xi32, #tpu.memory_space<vmem>>) semaphore(%arg11 : memref<!tpu.dma_semaphore, #tpu.memory_space<semaphore_mem>>)
    %dma_start3A_44 = arith.constant 400 : i32
    %dma_start3A_45 = arith.constant 0 : i32
    %dma_start3A_46 = tpu.memref_slice %arg9[%dma_start3A_44, %dma_start3A_45] : memref<800x64xf32, #tpu.memory_space<vmem>> -> memref<80x64xf32, #tpu.memory_space<vmem>>
    %dma_start3A_47 = arith.constant 400 : i32
    %dma_start3A_48 = tpu.memref_slice %arg7[%dma_start3A_47] : memref<800xi32, #tpu.memory_space<vmem>> -> memref<80xi32, #tpu.memory_space<vmem>>
    %dma_start3A_49 = arith.constant 0 : i32
    %dma_start3A_50 = arith.constant 0 : i32
    %dma_start3A_51 = tpu.memref_slice %arg3[%dma_start3A_49, %dma_start3A_50] : memref<100000x64xf32, #tpu.memory_space<hbm>> -> memref<100000x64xf32, #tpu.memory_space<hbm>>
    tpu.enqueue_indirect_dma source(%dma_start3A_51 : memref<100000x64xf32, #tpu.memory_space<hbm>>) target(%dma_start3A_46 : memref<80x64xf32, #tpu.memory_space<vmem>>) offsets(%dma_start3A_48 : memref<80xi32, #tpu.memory_space<vmem>>) semaphore(%arg11 : memref<!tpu.dma_semaphore, #tpu.memory_space<semaphore_mem>>)
    %dma_start3A_52 = arith.constant 480 : i32
    %dma_start3A_53 = arith.constant 0 : i32
    %dma_start3A_54 = tpu.memref_slice %arg9[%dma_start3A_52, %dma_start3A_53] : memref<800x64xf32, #tpu.memory_space<vmem>> -> memref<80x64xf32, #tpu.memory_space<vmem>>
    %dma_start3A_55 = arith.constant 480 : i32
    %dma_start3A_56 = tpu.memref_slice %arg7[%dma_start3A_55] : memref<800xi32, #tpu.memory_space<vmem>> -> memref<80xi32, #tpu.memory_space<vmem>>
    %dma_start3A_57 = arith.constant 0 : i32
    %dma_start3A_58 = arith.constant 0 : i32
    %dma_start3A_59 = tpu.memref_slice %arg3[%dma_start3A_57, %dma_start3A_58] : memref<100000x64xf32, #tpu.memory_space<hbm>> -> memref<100000x64xf32, #tpu.memory_space<hbm>>
    tpu.enqueue_indirect_dma source(%dma_start3A_59 : memref<100000x64xf32, #tpu.memory_space<hbm>>) target(%dma_start3A_54 : memref<80x64xf32, #tpu.memory_space<vmem>>) offsets(%dma_start3A_56 : memref<80xi32, #tpu.memory_space<vmem>>) semaphore(%arg11 : memref<!tpu.dma_semaphore, #tpu.memory_space<semaphore_mem>>)
    %dma_start3A_60 = arith.constant 560 : i32
    %dma_start3A_61 = arith.constant 0 : i32
    %dma_start3A_62 = tpu.memref_slice %arg9[%dma_start3A_60, %dma_start3A_61] : memref<800x64xf32, #tpu.memory_space<vmem>> -> memref<80x64xf32, #tpu.memory_space<vmem>>
    %dma_start3A_63 = arith.constant 560 : i32
    %dma_start3A_64 = tpu.memref_slice %arg7[%dma_start3A_63] : memref<800xi32, #tpu.memory_space<vmem>> -> memref<80xi32, #tpu.memory_space<vmem>>
    %dma_start3A_65 = arith.constant 0 : i32
    %dma_start3A_66 = arith.constant 0 : i32
    %dma_start3A_67 = tpu.memref_slice %arg3[%dma_start3A_65, %dma_start3A_66] : memref<100000x64xf32, #tpu.memory_space<hbm>> -> memref<100000x64xf32, #tpu.memory_space<hbm>>
    tpu.enqueue_indirect_dma source(%dma_start3A_67 : memref<100000x64xf32, #tpu.memory_space<hbm>>) target(%dma_start3A_62 : memref<80x64xf32, #tpu.memory_space<vmem>>) offsets(%dma_start3A_64 : memref<80xi32, #tpu.memory_space<vmem>>) semaphore(%arg11 : memref<!tpu.dma_semaphore, #tpu.memory_space<semaphore_mem>>)
    %dma_start3A_68 = arith.constant 640 : i32
    %dma_start3A_69 = arith.constant 0 : i32
    %dma_start3A_70 = tpu.memref_slice %arg9[%dma_start3A_68, %dma_start3A_69] : memref<800x64xf32, #tpu.memory_space<vmem>> -> memref<80x64xf32, #tpu.memory_space<vmem>>
    %dma_start3A_71 = arith.constant 640 : i32
    %dma_start3A_72 = tpu.memref_slice %arg7[%dma_start3A_71] : memref<800xi32, #tpu.memory_space<vmem>> -> memref<80xi32, #tpu.memory_space<vmem>>
    %dma_start3A_73 = arith.constant 0 : i32
    %dma_start3A_74 = arith.constant 0 : i32
    %dma_start3A_75 = tpu.memref_slice %arg3[%dma_start3A_73, %dma_start3A_74] : memref<100000x64xf32, #tpu.memory_space<hbm>> -> memref<100000x64xf32, #tpu.memory_space<hbm>>
    tpu.enqueue_indirect_dma source(%dma_start3A_75 : memref<100000x64xf32, #tpu.memory_space<hbm>>) target(%dma_start3A_70 : memref<80x64xf32, #tpu.memory_space<vmem>>) offsets(%dma_start3A_72 : memref<80xi32, #tpu.memory_space<vmem>>) semaphore(%arg11 : memref<!tpu.dma_semaphore, #tpu.memory_space<semaphore_mem>>)
    %dma_start3A_76 = arith.constant 720 : i32
    %dma_start3A_77 = arith.constant 0 : i32
    %dma_start3A_78 = tpu.memref_slice %arg9[%dma_start3A_76, %dma_start3A_77] : memref<800x64xf32, #tpu.memory_space<vmem>> -> memref<80x64xf32, #tpu.memory_space<vmem>>
    %dma_start3A_79 = arith.constant 720 : i32
    %dma_start3A_80 = tpu.memref_slice %arg7[%dma_start3A_79] : memref<800xi32, #tpu.memory_space<vmem>> -> memref<80xi32, #tpu.memory_space<vmem>>
    %dma_start3A_81 = arith.constant 0 : i32
    %dma_start3A_82 = arith.constant 0 : i32
    %dma_start3A_83 = tpu.memref_slice %arg3[%dma_start3A_81, %dma_start3A_82] : memref<100000x64xf32, #tpu.memory_space<hbm>> -> memref<100000x64xf32, #tpu.memory_space<hbm>>
    tpu.enqueue_indirect_dma source(%dma_start3A_83 : memref<100000x64xf32, #tpu.memory_space<hbm>>) target(%dma_start3A_78 : memref<80x64xf32, #tpu.memory_space<vmem>>) offsets(%dma_start3A_80 : memref<80xi32, #tpu.memory_space<vmem>>) semaphore(%arg11 : memref<!tpu.dma_semaphore, #tpu.memory_space<semaphore_mem>>)
    %scan3A = arith.constant 0 : i32
    %scan3A_84 = arith.constant 0 : i32
    %scan3A_85 = arith.constant 16 : i32
    %scan3A_86 = arith.addi %scan3A_84, %scan3A_85 : i32
    %scan3A_87 = arith.constant 1 : i32
    scf.for %scan3A_208 = %scan3A_84 to %scan3A_86 step %scan3A_87  : i32 {
      %mul3A_209 = arith.constant 2 : i32
      %mul3A_210 = arith.muli %mul3A_209, %scan3A_208 : i32
      %add3A_211 = arith.constant 1 : i32
      %add3A_212 = arith.addi %mul3A_210, %add3A_211 : i32
      %gt3A = arith.constant 0 : i32
      %gt3A_213 = arith.cmpi sgt, %scan3A_208, %gt3A : i32
      %convert_element_type3A = arith.extui %gt3A_213 : i1 to i32
      %cond3A = arith.constant 0 : i32
      %cond3A_214 = arith.cmpi ne, %convert_element_type3A, %cond3A : i32
      scf.if %cond3A_214 {
        %dma_wait3A_648 = arith.constant 0 : i32
        %dma_wait3A_649 = arith.constant 0 : i32
        %dma_wait3A_650 = arith.constant 0 : i32
        %dma_wait3A_651 = tpu.memref_slice %arg10[%dma_wait3A_649, %dma_wait3A_650] : memref<800x64xf32, #tpu.memory_space<vmem>> -> memref<200x64xf32, #tpu.memory_space<vmem>>
        %dma_wait3A_652 = arith.constant 0 : i32
        %dma_wait3A_653 = arith.constant 0 : i32
        %dma_wait3A_654 = tpu.memref_slice %arg5[%dma_wait3A_648, %dma_wait3A_652, %dma_wait3A_653] : memref<4096x200x128xf32, #tpu.memory_space<hbm>> -> memref<1x200x64xf32, #tpu.memory_space<hbm>>
        %dma_wait3A_655 = tpu.memref_squeeze %dma_wait3A_654 : memref<1x200x64xf32, #tpu.memory_space<hbm>> -> memref<200x64xf32, #tpu.memory_space<hbm>>
        %dma_wait3A_656 = arith.constant 0 : i32
        %dma_wait3A_657 = arith.constant 0 : i32
        %dma_wait3A_658 = tpu.memref_slice %arg5[%dma_wait3A_648, %dma_wait3A_656, %dma_wait3A_657] : memref<4096x200x128xf32, #tpu.memory_space<hbm>> -> memref<1x200x64xf32, #tpu.memory_space<hbm>>
        %dma_wait3A_659 = tpu.memref_squeeze %dma_wait3A_658 : memref<1x200x64xf32, #tpu.memory_space<hbm>> -> memref<200x64xf32, #tpu.memory_space<hbm>>
        %dma_wait3A_660 = arith.constant 0 : i32
        %dma_wait3A_661 = arith.constant 0 : i32
        %dma_wait3A_662 = tpu.memref_slice %arg10[%dma_wait3A_660, %dma_wait3A_661] : memref<800x64xf32, #tpu.memory_space<vmem>> -> memref<200x64xf32, #tpu.memory_space<vmem>>
        tpu.wait_dma2 semaphore(%arg14 : memref<!tpu.dma_semaphore, #tpu.memory_space<semaphore_mem>>) src(%dma_wait3A_662 : memref<200x64xf32, #tpu.memory_space<vmem>>) dst(%dma_wait3A_659 : memref<200x64xf32, #tpu.memory_space<hbm>>)
        %dma_wait3A_663 = arith.constant 1 : i32
        %dma_wait3A_664 = arith.constant 200 : i32
        %dma_wait3A_665 = arith.constant 0 : i32
        %dma_wait3A_666 = tpu.memref_slice %arg10[%dma_wait3A_664, %dma_wait3A_665] : memref<800x64xf32, #tpu.memory_space<vmem>> -> memref<200x64xf32, #tpu.memory_space<vmem>>
        %dma_wait3A_667 = arith.constant 0 : i32
        %dma_wait3A_668 = arith.constant 0 : i32
        %dma_wait3A_669 = tpu.memref_slice %arg5[%dma_wait3A_663, %dma_wait3A_667, %dma_wait3A_668] : memref<4096x200x128xf32, #tpu.memory_space<hbm>> -> memref<1x200x64xf32, #tpu.memory_space<hbm>>
        %dma_wait3A_670 = tpu.memref_squeeze %dma_wait3A_669 : memref<1x200x64xf32, #tpu.memory_space<hbm>> -> memref<200x64xf32, #tpu.memory_space<hbm>>
        %dma_wait3A_671 = arith.constant 0 : i32
        %dma_wait3A_672 = arith.constant 0 : i32
        %dma_wait3A_673 = tpu.memref_slice %arg5[%dma_wait3A_663, %dma_wait3A_671, %dma_wait3A_672] : memref<4096x200x128xf32, #tpu.memory_space<hbm>> -> memref<1x200x64xf32, #tpu.memory_space<hbm>>
        %dma_wait3A_674 = tpu.memref_squeeze %dma_wait3A_673 : memref<1x200x64xf32, #tpu.memory_space<hbm>> -> memref<200x64xf32, #tpu.memory_space<hbm>>
        %dma_wait3A_675 = arith.constant 200 : i32
        %dma_wait3A_676 = arith.constant 0 : i32
        %dma_wait3A_677 = tpu.memref_slice %arg10[%dma_wait3A_675, %dma_wait3A_676] : memref<800x64xf32, #tpu.memory_space<vmem>> -> memref<200x64xf32, #tpu.memory_space<vmem>>
        tpu.wait_dma2 semaphore(%arg14 : memref<!tpu.dma_semaphore, #tpu.memory_space<semaphore_mem>>) src(%dma_wait3A_677 : memref<200x64xf32, #tpu.memory_space<vmem>>) dst(%dma_wait3A_674 : memref<200x64xf32, #tpu.memory_space<hbm>>)
        %dma_wait3A_678 = arith.constant 2 : i32
        %dma_wait3A_679 = arith.constant 400 : i32
        %dma_wait3A_680 = arith.constant 0 : i32
        %dma_wait3A_681 = tpu.memref_slice %arg10[%dma_wait3A_679, %dma_wait3A_680] : memref<800x64xf32, #tpu.memory_space<vmem>> -> memref<200x64xf32, #tpu.memory_space<vmem>>
        %dma_wait3A_682 = arith.constant 0 : i32
        %dma_wait3A_683 = arith.constant 0 : i32
        %dma_wait3A_684 = tpu.memref_slice %arg5[%dma_wait3A_678, %dma_wait3A_682, %dma_wait3A_683] : memref<4096x200x128xf32, #tpu.memory_space<hbm>> -> memref<1x200x64xf32, #tpu.memory_space<hbm>>
        %dma_wait3A_685 = tpu.memref_squeeze %dma_wait3A_684 : memref<1x200x64xf32, #tpu.memory_space<hbm>> -> memref<200x64xf32, #tpu.memory_space<hbm>>
        %dma_wait3A_686 = arith.constant 0 : i32
        %dma_wait3A_687 = arith.constant 0 : i32
        %dma_wait3A_688 = tpu.memref_slice %arg5[%dma_wait3A_678, %dma_wait3A_686, %dma_wait3A_687] : memref<4096x200x128xf32, #tpu.memory_space<hbm>> -> memref<1x200x64xf32, #tpu.memory_space<hbm>>
        %dma_wait3A_689 = tpu.memref_squeeze %dma_wait3A_688 : memref<1x200x64xf32, #tpu.memory_space<hbm>> -> memref<200x64xf32, #tpu.memory_space<hbm>>
        %dma_wait3A_690 = arith.constant 400 : i32
        %dma_wait3A_691 = arith.constant 0 : i32
        %dma_wait3A_692 = tpu.memref_slice %arg10[%dma_wait3A_690, %dma_wait3A_691] : memref<800x64xf32, #tpu.memory_space<vmem>> -> memref<200x64xf32, #tpu.memory_space<vmem>>
        tpu.wait_dma2 semaphore(%arg14 : memref<!tpu.dma_semaphore, #tpu.memory_space<semaphore_mem>>) src(%dma_wait3A_692 : memref<200x64xf32, #tpu.memory_space<vmem>>) dst(%dma_wait3A_689 : memref<200x64xf32, #tpu.memory_space<hbm>>)
        %dma_wait3A_693 = arith.constant 3 : i32
        %dma_wait3A_694 = arith.constant 600 : i32
        %dma_wait3A_695 = arith.constant 0 : i32
        %dma_wait3A_696 = tpu.memref_slice %arg10[%dma_wait3A_694, %dma_wait3A_695] : memref<800x64xf32, #tpu.memory_space<vmem>> -> memref<200x64xf32, #tpu.memory_space<vmem>>
        %dma_wait3A_697 = arith.constant 0 : i32
        %dma_wait3A_698 = arith.constant 0 : i32
        %dma_wait3A_699 = tpu.memref_slice %arg5[%dma_wait3A_693, %dma_wait3A_697, %dma_wait3A_698] : memref<4096x200x128xf32, #tpu.memory_space<hbm>> -> memref<1x200x64xf32, #tpu.memory_space<hbm>>
        %dma_wait3A_700 = tpu.memref_squeeze %dma_wait3A_699 : memref<1x200x64xf32, #tpu.memory_space<hbm>> -> memref<200x64xf32, #tpu.memory_space<hbm>>
        %dma_wait3A_701 = arith.constant 0 : i32
        %dma_wait3A_702 = arith.constant 0 : i32
        %dma_wait3A_703 = tpu.memref_slice %arg5[%dma_wait3A_693, %dma_wait3A_701, %dma_wait3A_702] : memref<4096x200x128xf32, #tpu.memory_space<hbm>> -> memref<1x200x64xf32, #tpu.memory_space<hbm>>
        %dma_wait3A_704 = tpu.memref_squeeze %dma_wait3A_703 : memref<1x200x64xf32, #tpu.memory_space<hbm>> -> memref<200x64xf32, #tpu.memory_space<hbm>>
        %dma_wait3A_705 = arith.constant 600 : i32
        %dma_wait3A_706 = arith.constant 0 : i32
        %dma_wait3A_707 = tpu.memref_slice %arg10[%dma_wait3A_705, %dma_wait3A_706] : memref<800x64xf32, #tpu.memory_space<vmem>> -> memref<200x64xf32, #tpu.memory_space<vmem>>
        tpu.wait_dma2 semaphore(%arg14 : memref<!tpu.dma_semaphore, #tpu.memory_space<semaphore_mem>>) src(%dma_wait3A_707 : memref<200x64xf32, #tpu.memory_space<vmem>>) dst(%dma_wait3A_704 : memref<200x64xf32, #tpu.memory_space<hbm>>)
      } else {
      }
      %mul3A_215 = arith.constant 800 : i32
      %mul3A_216 = arith.muli %add3A_212, %mul3A_215 : i32
      %add3A_217 = arith.addi %mul3A_2, %mul3A_216 : i32
      "tpu.region"() ({
        %run_scoped3A = tpu.sem_alloc : memref<!tpu.dma_semaphore, #tpu.memory_space<semaphore_mem>>
        %dma_start3A_648 = tpu.memref_slice %arg2[%add3A_217] : memref<819200xi32, #tpu.memory_space<hbm>> -> memref<800xi32, #tpu.memory_space<hbm>>
        %dma_start3A_649 = tpu.memref_slice %arg2[%add3A_217] : memref<819200xi32, #tpu.memory_space<hbm>> -> memref<800xi32, #tpu.memory_space<hbm>>
        tpu.enqueue_dma source(%dma_start3A_649 : memref<800xi32, #tpu.memory_space<hbm>>) target(%arg8 : memref<800xi32, #tpu.memory_space<vmem>>) target_semaphore(%run_scoped3A : memref<!tpu.dma_semaphore, #tpu.memory_space<semaphore_mem>>)
        %dma_wait3A_650 = tpu.memref_slice %arg2[%add3A_217] : memref<819200xi32, #tpu.memory_space<hbm>> -> memref<800xi32, #tpu.memory_space<hbm>>
        %dma_wait3A_651 = tpu.memref_slice %arg2[%add3A_217] : memref<819200xi32, #tpu.memory_space<hbm>> -> memref<800xi32, #tpu.memory_space<hbm>>
        tpu.wait_dma2 semaphore(%run_scoped3A : memref<!tpu.dma_semaphore, #tpu.memory_space<semaphore_mem>>) src(%dma_wait3A_651 : memref<800xi32, #tpu.memory_space<hbm>>) dst(%arg8 : memref<800xi32, #tpu.memory_space<vmem>>)
        tpu.yield
      }) : () -> ()
      %dma_start3A_218 = arith.constant 0 : i32
      %dma_start3A_219 = arith.constant 0 : i32
      %dma_start3A_220 = tpu.memref_slice %arg10[%dma_start3A_218, %dma_start3A_219] : memref<800x64xf32, #tpu.memory_space<vmem>> -> memref<80x64xf32, #tpu.memory_space<vmem>>
      %dma_start3A_221 = arith.constant 0 : i32
      %dma_start3A_222 = tpu.memref_slice %arg8[%dma_start3A_221] : memref<800xi32, #tpu.memory_space<vmem>> -> memref<80xi32, #tpu.memory_space<vmem>>
      %dma_start3A_223 = arith.constant 0 : i32
      %dma_start3A_224 = arith.constant 0 : i32
      %dma_start3A_225 = tpu.memref_slice %arg3[%dma_start3A_223, %dma_start3A_224] : memref<100000x64xf32, #tpu.memory_space<hbm>> -> memref<100000x64xf32, #tpu.memory_space<hbm>>
      tpu.enqueue_indirect_dma source(%dma_start3A_225 : memref<100000x64xf32, #tpu.memory_space<hbm>>) target(%dma_start3A_220 : memref<80x64xf32, #tpu.memory_space<vmem>>) offsets(%dma_start3A_222 : memref<80xi32, #tpu.memory_space<vmem>>) semaphore(%arg12 : memref<!tpu.dma_semaphore, #tpu.memory_space<semaphore_mem>>)
      %dma_start3A_226 = arith.constant 80 : i32
      %dma_start3A_227 = arith.constant 0 : i32
      %dma_start3A_228 = tpu.memref_slice %arg10[%dma_start3A_226, %dma_start3A_227] : memref<800x64xf32, #tpu.memory_space<vmem>> -> memref<80x64xf32, #tpu.memory_space<vmem>>
      %dma_start3A_229 = arith.constant 80 : i32
      %dma_start3A_230 = tpu.memref_slice %arg8[%dma_start3A_229] : memref<800xi32, #tpu.memory_space<vmem>> -> memref<80xi32, #tpu.memory_space<vmem>>
      %dma_start3A_231 = arith.constant 0 : i32
      %dma_start3A_232 = arith.constant 0 : i32
      %dma_start3A_233 = tpu.memref_slice %arg3[%dma_start3A_231, %dma_start3A_232] : memref<100000x64xf32, #tpu.memory_space<hbm>> -> memref<100000x64xf32, #tpu.memory_space<hbm>>
      tpu.enqueue_indirect_dma source(%dma_start3A_233 : memref<100000x64xf32, #tpu.memory_space<hbm>>) target(%dma_start3A_228 : memref<80x64xf32, #tpu.memory_space<vmem>>) offsets(%dma_start3A_230 : memref<80xi32, #tpu.memory_space<vmem>>) semaphore(%arg12 : memref<!tpu.dma_semaphore, #tpu.memory_space<semaphore_mem>>)
      %dma_start3A_234 = arith.constant 160 : i32
      %dma_start3A_235 = arith.constant 0 : i32
      %dma_start3A_236 = tpu.memref_slice %arg10[%dma_start3A_234, %dma_start3A_235] : memref<800x64xf32, #tpu.memory_space<vmem>> -> memref<80x64xf32, #tpu.memory_space<vmem>>
      %dma_start3A_237 = arith.constant 160 : i32
      %dma_start3A_238 = tpu.memref_slice %arg8[%dma_start3A_237] : memref<800xi32, #tpu.memory_space<vmem>> -> memref<80xi32, #tpu.memory_space<vmem>>
      %dma_start3A_239 = arith.constant 0 : i32
      %dma_start3A_240 = arith.constant 0 : i32
      %dma_start3A_241 = tpu.memref_slice %arg3[%dma_start3A_239, %dma_start3A_240] : memref<100000x64xf32, #tpu.memory_space<hbm>> -> memref<100000x64xf32, #tpu.memory_space<hbm>>
      tpu.enqueue_indirect_dma source(%dma_start3A_241 : memref<100000x64xf32, #tpu.memory_space<hbm>>) target(%dma_start3A_236 : memref<80x64xf32, #tpu.memory_space<vmem>>) offsets(%dma_start3A_238 : memref<80xi32, #tpu.memory_space<vmem>>) semaphore(%arg12 : memref<!tpu.dma_semaphore, #tpu.memory_space<semaphore_mem>>)
      %dma_start3A_242 = arith.constant 240 : i32
      %dma_start3A_243 = arith.constant 0 : i32
      %dma_start3A_244 = tpu.memref_slice %arg10[%dma_start3A_242, %dma_start3A_243] : memref<800x64xf32, #tpu.memory_space<vmem>> -> memref<80x64xf32, #tpu.memory_space<vmem>>
      %dma_start3A_245 = arith.constant 240 : i32
      %dma_start3A_246 = tpu.memref_slice %arg8[%dma_start3A_245] : memref<800xi32, #tpu.memory_space<vmem>> -> memref<80xi32, #tpu.memory_space<vmem>>
      %dma_start3A_247 = arith.constant 0 : i32
      %dma_start3A_248 = arith.constant 0 : i32
      %dma_start3A_249 = tpu.memref_slice %arg3[%dma_start3A_247, %dma_start3A_248] : memref<100000x64xf32, #tpu.memory_space<hbm>> -> memref<100000x64xf32, #tpu.memory_space<hbm>>
      tpu.enqueue_indirect_dma source(%dma_start3A_249 : memref<100000x64xf32, #tpu.memory_space<hbm>>) target(%dma_start3A_244 : memref<80x64xf32, #tpu.memory_space<vmem>>) offsets(%dma_start3A_246 : memref<80xi32, #tpu.memory_space<vmem>>) semaphore(%arg12 : memref<!tpu.dma_semaphore, #tpu.memory_space<semaphore_mem>>)
      %dma_start3A_250 = arith.constant 320 : i32
      %dma_start3A_251 = arith.constant 0 : i32
      %dma_start3A_252 = tpu.memref_slice %arg10[%dma_start3A_250, %dma_start3A_251] : memref<800x64xf32, #tpu.memory_space<vmem>> -> memref<80x64xf32, #tpu.memory_space<vmem>>
      %dma_start3A_253 = arith.constant 320 : i32
      %dma_start3A_254 = tpu.memref_slice %arg8[%dma_start3A_253] : memref<800xi32, #tpu.memory_space<vmem>> -> memref<80xi32, #tpu.memory_space<vmem>>
      %dma_start3A_255 = arith.constant 0 : i32
      %dma_start3A_256 = arith.constant 0 : i32
      %dma_start3A_257 = tpu.memref_slice %arg3[%dma_start3A_255, %dma_start3A_256] : memref<100000x64xf32, #tpu.memory_space<hbm>> -> memref<100000x64xf32, #tpu.memory_space<hbm>>
      tpu.enqueue_indirect_dma source(%dma_start3A_257 : memref<100000x64xf32, #tpu.memory_space<hbm>>) target(%dma_start3A_252 : memref<80x64xf32, #tpu.memory_space<vmem>>) offsets(%dma_start3A_254 : memref<80xi32, #tpu.memory_space<vmem>>) semaphore(%arg12 : memref<!tpu.dma_semaphore, #tpu.memory_space<semaphore_mem>>)
      %dma_start3A_258 = arith.constant 400 : i32
      %dma_start3A_259 = arith.constant 0 : i32
      %dma_start3A_260 = tpu.memref_slice %arg10[%dma_start3A_258, %dma_start3A_259] : memref<800x64xf32, #tpu.memory_space<vmem>> -> memref<80x64xf32, #tpu.memory_space<vmem>>
      %dma_start3A_261 = arith.constant 400 : i32
      %dma_start3A_262 = tpu.memref_slice %arg8[%dma_start3A_261] : memref<800xi32, #tpu.memory_space<vmem>> -> memref<80xi32, #tpu.memory_space<vmem>>
      %dma_start3A_263 = arith.constant 0 : i32
      %dma_start3A_264 = arith.constant 0 : i32
      %dma_start3A_265 = tpu.memref_slice %arg3[%dma_start3A_263, %dma_start3A_264] : memref<100000x64xf32, #tpu.memory_space<hbm>> -> memref<100000x64xf32, #tpu.memory_space<hbm>>
      tpu.enqueue_indirect_dma source(%dma_start3A_265 : memref<100000x64xf32, #tpu.memory_space<hbm>>) target(%dma_start3A_260 : memref<80x64xf32, #tpu.memory_space<vmem>>) offsets(%dma_start3A_262 : memref<80xi32, #tpu.memory_space<vmem>>) semaphore(%arg12 : memref<!tpu.dma_semaphore, #tpu.memory_space<semaphore_mem>>)
      %dma_start3A_266 = arith.constant 480 : i32
      %dma_start3A_267 = arith.constant 0 : i32
      %dma_start3A_268 = tpu.memref_slice %arg10[%dma_start3A_266, %dma_start3A_267] : memref<800x64xf32, #tpu.memory_space<vmem>> -> memref<80x64xf32, #tpu.memory_space<vmem>>
      %dma_start3A_269 = arith.constant 480 : i32
      %dma_start3A_270 = tpu.memref_slice %arg8[%dma_start3A_269] : memref<800xi32, #tpu.memory_space<vmem>> -> memref<80xi32, #tpu.memory_space<vmem>>
      %dma_start3A_271 = arith.constant 0 : i32
      %dma_start3A_272 = arith.constant 0 : i32
      %dma_start3A_273 = tpu.memref_slice %arg3[%dma_start3A_271, %dma_start3A_272] : memref<100000x64xf32, #tpu.memory_space<hbm>> -> memref<100000x64xf32, #tpu.memory_space<hbm>>
      tpu.enqueue_indirect_dma source(%dma_start3A_273 : memref<100000x64xf32, #tpu.memory_space<hbm>>) target(%dma_start3A_268 : memref<80x64xf32, #tpu.memory_space<vmem>>) offsets(%dma_start3A_270 : memref<80xi32, #tpu.memory_space<vmem>>) semaphore(%arg12 : memref<!tpu.dma_semaphore, #tpu.memory_space<semaphore_mem>>)
      %dma_start3A_274 = arith.constant 560 : i32
      %dma_start3A_275 = arith.constant 0 : i32
      %dma_start3A_276 = tpu.memref_slice %arg10[%dma_start3A_274, %dma_start3A_275] : memref<800x64xf32, #tpu.memory_space<vmem>> -> memref<80x64xf32, #tpu.memory_space<vmem>>
      %dma_start3A_277 = arith.constant 560 : i32
      %dma_start3A_278 = tpu.memref_slice %arg8[%dma_start3A_277] : memref<800xi32, #tpu.memory_space<vmem>> -> memref<80xi32, #tpu.memory_space<vmem>>
      %dma_start3A_279 = arith.constant 0 : i32
      %dma_start3A_280 = arith.constant 0 : i32
      %dma_start3A_281 = tpu.memref_slice %arg3[%dma_start3A_279, %dma_start3A_280] : memref<100000x64xf32, #tpu.memory_space<hbm>> -> memref<100000x64xf32, #tpu.memory_space<hbm>>
      tpu.enqueue_indirect_dma source(%dma_start3A_281 : memref<100000x64xf32, #tpu.memory_space<hbm>>) target(%dma_start3A_276 : memref<80x64xf32, #tpu.memory_space<vmem>>) offsets(%dma_start3A_278 : memref<80xi32, #tpu.memory_space<vmem>>) semaphore(%arg12 : memref<!tpu.dma_semaphore, #tpu.memory_space<semaphore_mem>>)
      %dma_start3A_282 = arith.constant 640 : i32
      %dma_start3A_283 = arith.constant 0 : i32
      %dma_start3A_284 = tpu.memref_slice %arg10[%dma_start3A_282, %dma_start3A_283] : memref<800x64xf32, #tpu.memory_space<vmem>> -> memref<80x64xf32, #tpu.memory_space<vmem>>
      %dma_start3A_285 = arith.constant 640 : i32
      %dma_start3A_286 = tpu.memref_slice %arg8[%dma_start3A_285] : memref<800xi32, #tpu.memory_space<vmem>> -> memref<80xi32, #tpu.memory_space<vmem>>
      %dma_start3A_287 = arith.constant 0 : i32
      %dma_start3A_288 = arith.constant 0 : i32
      %dma_start3A_289 = tpu.memref_slice %arg3[%dma_start3A_287, %dma_start3A_288] : memref<100000x64xf32, #tpu.memory_space<hbm>> -> memref<100000x64xf32, #tpu.memory_space<hbm>>
      tpu.enqueue_indirect_dma source(%dma_start3A_289 : memref<100000x64xf32, #tpu.memory_space<hbm>>) target(%dma_start3A_284 : memref<80x64xf32, #tpu.memory_space<vmem>>) offsets(%dma_start3A_286 : memref<80xi32, #tpu.memory_space<vmem>>) semaphore(%arg12 : memref<!tpu.dma_semaphore, #tpu.memory_space<semaphore_mem>>)
      %dma_start3A_290 = arith.constant 720 : i32
      %dma_start3A_291 = arith.constant 0 : i32
      %dma_start3A_292 = tpu.memref_slice %arg10[%dma_start3A_290, %dma_start3A_291] : memref<800x64xf32, #tpu.memory_space<vmem>> -> memref<80x64xf32, #tpu.memory_space<vmem>>
      %dma_start3A_293 = arith.constant 720 : i32
      %dma_start3A_294 = tpu.memref_slice %arg8[%dma_start3A_293] : memref<800xi32, #tpu.memory_space<vmem>> -> memref<80xi32, #tpu.memory_space<vmem>>
      %dma_start3A_295 = arith.constant 0 : i32
      %dma_start3A_296 = arith.constant 0 : i32
      %dma_start3A_297 = tpu.memref_slice %arg3[%dma_start3A_295, %dma_start3A_296] : memref<100000x64xf32, #tpu.memory_space<hbm>> -> memref<100000x64xf32, #tpu.memory_space<hbm>>
      tpu.enqueue_indirect_dma source(%dma_start3A_297 : memref<100000x64xf32, #tpu.memory_space<hbm>>) target(%dma_start3A_292 : memref<80x64xf32, #tpu.memory_space<vmem>>) offsets(%dma_start3A_294 : memref<80xi32, #tpu.memory_space<vmem>>) semaphore(%arg12 : memref<!tpu.dma_semaphore, #tpu.memory_space<semaphore_mem>>)
      %dma_wait3A_298 = arith.constant 0 : i32
      %dma_wait3A_299 = arith.constant 0 : i32
      %dma_wait3A_300 = tpu.memref_slice %arg9[%dma_wait3A_298, %dma_wait3A_299] : memref<800x64xf32, #tpu.memory_space<vmem>> -> memref<80x64xf32, #tpu.memory_space<vmem>>
      %dma_wait3A_301 = arith.constant 0 : i32
      %dma_wait3A_302 = tpu.memref_slice %arg7[%dma_wait3A_301] : memref<800xi32, #tpu.memory_space<vmem>> -> memref<80xi32, #tpu.memory_space<vmem>>
      %dma_wait3A_303 = arith.constant 0 : i32
      %dma_wait3A_304 = arith.constant 0 : i32
      %dma_wait3A_305 = tpu.memref_slice %arg3[%dma_wait3A_303, %dma_wait3A_304] : memref<100000x64xf32, #tpu.memory_space<hbm>> -> memref<100000x64xf32, #tpu.memory_space<hbm>>
      tpu.wait_indirect_dma semaphore(%arg11 : memref<!tpu.dma_semaphore, #tpu.memory_space<semaphore_mem>>) src(%dma_wait3A_305 : memref<100000x64xf32, #tpu.memory_space<hbm>>) dst(%dma_wait3A_300 : memref<80x64xf32, #tpu.memory_space<vmem>>)
      %dma_wait3A_306 = arith.constant 80 : i32
      %dma_wait3A_307 = arith.constant 0 : i32
      %dma_wait3A_308 = tpu.memref_slice %arg9[%dma_wait3A_306, %dma_wait3A_307] : memref<800x64xf32, #tpu.memory_space<vmem>> -> memref<80x64xf32, #tpu.memory_space<vmem>>
      %dma_wait3A_309 = arith.constant 80 : i32
      %dma_wait3A_310 = tpu.memref_slice %arg7[%dma_wait3A_309] : memref<800xi32, #tpu.memory_space<vmem>> -> memref<80xi32, #tpu.memory_space<vmem>>
      %dma_wait3A_311 = arith.constant 0 : i32
      %dma_wait3A_312 = arith.constant 0 : i32
      %dma_wait3A_313 = tpu.memref_slice %arg3[%dma_wait3A_311, %dma_wait3A_312] : memref<100000x64xf32, #tpu.memory_space<hbm>> -> memref<100000x64xf32, #tpu.memory_space<hbm>>
      tpu.wait_indirect_dma semaphore(%arg11 : memref<!tpu.dma_semaphore, #tpu.memory_space<semaphore_mem>>) src(%dma_wait3A_313 : memref<100000x64xf32, #tpu.memory_space<hbm>>) dst(%dma_wait3A_308 : memref<80x64xf32, #tpu.memory_space<vmem>>)
      %dma_wait3A_314 = arith.constant 160 : i32
      %dma_wait3A_315 = arith.constant 0 : i32
      %dma_wait3A_316 = tpu.memref_slice %arg9[%dma_wait3A_314, %dma_wait3A_315] : memref<800x64xf32, #tpu.memory_space<vmem>> -> memref<80x64xf32, #tpu.memory_space<vmem>>
      %dma_wait3A_317 = arith.constant 160 : i32
      %dma_wait3A_318 = tpu.memref_slice %arg7[%dma_wait3A_317] : memref<800xi32, #tpu.memory_space<vmem>> -> memref<80xi32, #tpu.memory_space<vmem>>
      %dma_wait3A_319 = arith.constant 0 : i32
      %dma_wait3A_320 = arith.constant 0 : i32
      %dma_wait3A_321 = tpu.memref_slice %arg3[%dma_wait3A_319, %dma_wait3A_320] : memref<100000x64xf32, #tpu.memory_space<hbm>> -> memref<100000x64xf32, #tpu.memory_space<hbm>>
      tpu.wait_indirect_dma semaphore(%arg11 : memref<!tpu.dma_semaphore, #tpu.memory_space<semaphore_mem>>) src(%dma_wait3A_321 : memref<100000x64xf32, #tpu.memory_space<hbm>>) dst(%dma_wait3A_316 : memref<80x64xf32, #tpu.memory_space<vmem>>)
      %dma_wait3A_322 = arith.constant 240 : i32
      %dma_wait3A_323 = arith.constant 0 : i32
      %dma_wait3A_324 = tpu.memref_slice %arg9[%dma_wait3A_322, %dma_wait3A_323] : memref<800x64xf32, #tpu.memory_space<vmem>> -> memref<80x64xf32, #tpu.memory_space<vmem>>
      %dma_wait3A_325 = arith.constant 240 : i32
      %dma_wait3A_326 = tpu.memref_slice %arg7[%dma_wait3A_325] : memref<800xi32, #tpu.memory_space<vmem>> -> memref<80xi32, #tpu.memory_space<vmem>>
      %dma_wait3A_327 = arith.constant 0 : i32
      %dma_wait3A_328 = arith.constant 0 : i32
      %dma_wait3A_329 = tpu.memref_slice %arg3[%dma_wait3A_327, %dma_wait3A_328] : memref<100000x64xf32, #tpu.memory_space<hbm>> -> memref<100000x64xf32, #tpu.memory_space<hbm>>
      tpu.wait_indirect_dma semaphore(%arg11 : memref<!tpu.dma_semaphore, #tpu.memory_space<semaphore_mem>>) src(%dma_wait3A_329 : memref<100000x64xf32, #tpu.memory_space<hbm>>) dst(%dma_wait3A_324 : memref<80x64xf32, #tpu.memory_space<vmem>>)
      %dma_wait3A_330 = arith.constant 320 : i32
      %dma_wait3A_331 = arith.constant 0 : i32
      %dma_wait3A_332 = tpu.memref_slice %arg9[%dma_wait3A_330, %dma_wait3A_331] : memref<800x64xf32, #tpu.memory_space<vmem>> -> memref<80x64xf32, #tpu.memory_space<vmem>>
      %dma_wait3A_333 = arith.constant 320 : i32
      %dma_wait3A_334 = tpu.memref_slice %arg7[%dma_wait3A_333] : memref<800xi32, #tpu.memory_space<vmem>> -> memref<80xi32, #tpu.memory_space<vmem>>
      %dma_wait3A_335 = arith.constant 0 : i32
      %dma_wait3A_336 = arith.constant 0 : i32
      %dma_wait3A_337 = tpu.memref_slice %arg3[%dma_wait3A_335, %dma_wait3A_336] : memref<100000x64xf32, #tpu.memory_space<hbm>> -> memref<100000x64xf32, #tpu.memory_space<hbm>>
      tpu.wait_indirect_dma semaphore(%arg11 : memref<!tpu.dma_semaphore, #tpu.memory_space<semaphore_mem>>) src(%dma_wait3A_337 : memref<100000x64xf32, #tpu.memory_space<hbm>>) dst(%dma_wait3A_332 : memref<80x64xf32, #tpu.memory_space<vmem>>)
      %dma_wait3A_338 = arith.constant 400 : i32
      %dma_wait3A_339 = arith.constant 0 : i32
      %dma_wait3A_340 = tpu.memref_slice %arg9[%dma_wait3A_338, %dma_wait3A_339] : memref<800x64xf32, #tpu.memory_space<vmem>> -> memref<80x64xf32, #tpu.memory_space<vmem>>
      %dma_wait3A_341 = arith.constant 400 : i32
      %dma_wait3A_342 = tpu.memref_slice %arg7[%dma_wait3A_341] : memref<800xi32, #tpu.memory_space<vmem>> -> memref<80xi32, #tpu.memory_space<vmem>>
      %dma_wait3A_343 = arith.constant 0 : i32
      %dma_wait3A_344 = arith.constant 0 : i32
      %dma_wait3A_345 = tpu.memref_slice %arg3[%dma_wait3A_343, %dma_wait3A_344] : memref<100000x64xf32, #tpu.memory_space<hbm>> -> memref<100000x64xf32, #tpu.memory_space<hbm>>
      tpu.wait_indirect_dma semaphore(%arg11 : memref<!tpu.dma_semaphore, #tpu.memory_space<semaphore_mem>>) src(%dma_wait3A_345 : memref<100000x64xf32, #tpu.memory_space<hbm>>) dst(%dma_wait3A_340 : memref<80x64xf32, #tpu.memory_space<vmem>>)
      %dma_wait3A_346 = arith.constant 480 : i32
      %dma_wait3A_347 = arith.constant 0 : i32
      %dma_wait3A_348 = tpu.memref_slice %arg9[%dma_wait3A_346, %dma_wait3A_347] : memref<800x64xf32, #tpu.memory_space<vmem>> -> memref<80x64xf32, #tpu.memory_space<vmem>>
      %dma_wait3A_349 = arith.constant 480 : i32
      %dma_wait3A_350 = tpu.memref_slice %arg7[%dma_wait3A_349] : memref<800xi32, #tpu.memory_space<vmem>> -> memref<80xi32, #tpu.memory_space<vmem>>
      %dma_wait3A_351 = arith.constant 0 : i32
      %dma_wait3A_352 = arith.constant 0 : i32
      %dma_wait3A_353 = tpu.memref_slice %arg3[%dma_wait3A_351, %dma_wait3A_352] : memref<100000x64xf32, #tpu.memory_space<hbm>> -> memref<100000x64xf32, #tpu.memory_space<hbm>>
      tpu.wait_indirect_dma semaphore(%arg11 : memref<!tpu.dma_semaphore, #tpu.memory_space<semaphore_mem>>) src(%dma_wait3A_353 : memref<100000x64xf32, #tpu.memory_space<hbm>>) dst(%dma_wait3A_348 : memref<80x64xf32, #tpu.memory_space<vmem>>)
      %dma_wait3A_354 = arith.constant 560 : i32
      %dma_wait3A_355 = arith.constant 0 : i32
      %dma_wait3A_356 = tpu.memref_slice %arg9[%dma_wait3A_354, %dma_wait3A_355] : memref<800x64xf32, #tpu.memory_space<vmem>> -> memref<80x64xf32, #tpu.memory_space<vmem>>
      %dma_wait3A_357 = arith.constant 560 : i32
      %dma_wait3A_358 = tpu.memref_slice %arg7[%dma_wait3A_357] : memref<800xi32, #tpu.memory_space<vmem>> -> memref<80xi32, #tpu.memory_space<vmem>>
      %dma_wait3A_359 = arith.constant 0 : i32
      %dma_wait3A_360 = arith.constant 0 : i32
      %dma_wait3A_361 = tpu.memref_slice %arg3[%dma_wait3A_359, %dma_wait3A_360] : memref<100000x64xf32, #tpu.memory_space<hbm>> -> memref<100000x64xf32, #tpu.memory_space<hbm>>
      tpu.wait_indirect_dma semaphore(%arg11 : memref<!tpu.dma_semaphore, #tpu.memory_space<semaphore_mem>>) src(%dma_wait3A_361 : memref<100000x64xf32, #tpu.memory_space<hbm>>) dst(%dma_wait3A_356 : memref<80x64xf32, #tpu.memory_space<vmem>>)
      %dma_wait3A_362 = arith.constant 640 : i32
      %dma_wait3A_363 = arith.constant 0 : i32
      %dma_wait3A_364 = tpu.memref_slice %arg9[%dma_wait3A_362, %dma_wait3A_363] : memref<800x64xf32, #tpu.memory_space<vmem>> -> memref<80x64xf32, #tpu.memory_space<vmem>>
      %dma_wait3A_365 = arith.constant 640 : i32
      %dma_wait3A_366 = tpu.memref_slice %arg7[%dma_wait3A_365] : memref<800xi32, #tpu.memory_space<vmem>> -> memref<80xi32, #tpu.memory_space<vmem>>
      %dma_wait3A_367 = arith.constant 0 : i32
      %dma_wait3A_368 = arith.constant 0 : i32
      %dma_wait3A_369 = tpu.memref_slice %arg3[%dma_wait3A_367, %dma_wait3A_368] : memref<100000x64xf32, #tpu.memory_space<hbm>> -> memref<100000x64xf32, #tpu.memory_space<hbm>>
      tpu.wait_indirect_dma semaphore(%arg11 : memref<!tpu.dma_semaphore, #tpu.memory_space<semaphore_mem>>) src(%dma_wait3A_369 : memref<100000x64xf32, #tpu.memory_space<hbm>>) dst(%dma_wait3A_364 : memref<80x64xf32, #tpu.memory_space<vmem>>)
      %dma_wait3A_370 = arith.constant 720 : i32
      %dma_wait3A_371 = arith.constant 0 : i32
      %dma_wait3A_372 = tpu.memref_slice %arg9[%dma_wait3A_370, %dma_wait3A_371] : memref<800x64xf32, #tpu.memory_space<vmem>> -> memref<80x64xf32, #tpu.memory_space<vmem>>
      %dma_wait3A_373 = arith.constant 720 : i32
      %dma_wait3A_374 = tpu.memref_slice %arg7[%dma_wait3A_373] : memref<800xi32, #tpu.memory_space<vmem>> -> memref<80xi32, #tpu.memory_space<vmem>>
      %dma_wait3A_375 = arith.constant 0 : i32
      %dma_wait3A_376 = arith.constant 0 : i32
      %dma_wait3A_377 = tpu.memref_slice %arg3[%dma_wait3A_375, %dma_wait3A_376] : memref<100000x64xf32, #tpu.memory_space<hbm>> -> memref<100000x64xf32, #tpu.memory_space<hbm>>
      tpu.wait_indirect_dma semaphore(%arg11 : memref<!tpu.dma_semaphore, #tpu.memory_space<semaphore_mem>>) src(%dma_wait3A_377 : memref<100000x64xf32, #tpu.memory_space<hbm>>) dst(%dma_wait3A_372 : memref<80x64xf32, #tpu.memory_space<vmem>>)
      %scan3A_378 = arith.constant 0 : i32
      %scan3A_379 = arith.constant 0 : i32
      %scan3A_380 = arith.constant 200 : i32
      %scan3A_381 = arith.addi %scan3A_379, %scan3A_380 : i32
      %scan3A_382 = arith.constant 1 : i32
      scf.for %scan3A_648 = %scan3A_379 to %scan3A_381 step %scan3A_382  : i32 {
        %get3A = arith.index_cast %scan3A_648 : i32 to index
        %get3A_649 = arith.constant 0 : index
        %get3A_650 = tpu.vector_load %arg6[%get3A, %get3A_649] {strides = array<i32>} : memref<200x64xf32, #tpu.memory_space<vmem>>, vector<1x16xf32>,
        %get3A_651 = vector.shape_cast %get3A_650 : vector<1x16xf32> to vector<16xf32>
        %get3A_652 = arith.index_cast %scan3A_648 : i32 to index
        %get3A_653 = arith.constant 16 : index
        %get3A_654 = tpu.vector_load %arg6[%get3A_652, %get3A_653] {strides = array<i32>} : memref<200x64xf32, #tpu.memory_space<vmem>>, vector<1x16xf32>,
        %get3A_655 = vector.shape_cast %get3A_654 : vector<1x16xf32> to vector<16xf32>
        %get3A_656 = arith.index_cast %scan3A_648 : i32 to index
        %get3A_657 = arith.constant 32 : index
        %get3A_658 = tpu.vector_load %arg6[%get3A_656, %get3A_657] {strides = array<i32>} : memref<200x64xf32, #tpu.memory_space<vmem>>, vector<1x16xf32>,
        %get3A_659 = vector.shape_cast %get3A_658 : vector<1x16xf32> to vector<16xf32>
        %get3A_660 = arith.index_cast %scan3A_648 : i32 to index
        %get3A_661 = arith.constant 48 : index
        %get3A_662 = tpu.vector_load %arg6[%get3A_660, %get3A_661] {strides = array<i32>} : memref<200x64xf32, #tpu.memory_space<vmem>>, vector<1x16xf32>,
        %get3A_663 = vector.shape_cast %get3A_662 : vector<1x16xf32> to vector<16xf32>
        %add3A_664 = arith.constant 0 : i32
        %add3A_665 = arith.addi %add3A_664, %scan3A_648 : i32
        %get3A_666 = arith.index_cast %add3A_665 : i32 to index
        %get3A_667 = arith.constant 0 : index
        %get3A_668 = tpu.vector_load %arg9[%get3A_666, %get3A_667] {strides = array<i32>} : memref<800x64xf32, #tpu.memory_space<vmem>>, vector<1x16xf32>,
        %get3A_669 = vector.shape_cast %get3A_668 : vector<1x16xf32> to vector<16xf32>
        %add3A_670 = arith.addf %get3A_669, %get3A_651 : vector<16xf32>
        %swap3A = arith.index_cast %add3A_665 : i32 to index
        %swap3A_671 = arith.constant 0 : index
        %swap3A_672 = tpu.vector_load %arg9[%swap3A, %swap3A_671] {strides = array<i32>} : memref<800x64xf32, #tpu.memory_space<vmem>>, vector<1x16xf32>,
        %swap3A_673 = vector.shape_cast %swap3A_672 : vector<1x16xf32> to vector<16xf32>
        %swap3A_674 = vector.shape_cast %add3A_670 : vector<16xf32> to vector<1x16xf32>
        tpu.vector_store %arg9[%swap3A, %swap3A_671], %swap3A_674 {strides = array<i32>} : memref<800x64xf32, #tpu.memory_space<vmem>>, vector<1x16xf32>,
        %get3A_675 = arith.index_cast %add3A_665 : i32 to index
        %get3A_676 = arith.constant 16 : index
        %get3A_677 = tpu.vector_load %arg9[%get3A_675, %get3A_676] {strides = array<i32>} : memref<800x64xf32, #tpu.memory_space<vmem>>, vector<1x16xf32>,
        %get3A_678 = vector.shape_cast %get3A_677 : vector<1x16xf32> to vector<16xf32>
        %add3A_679 = arith.addf %get3A_678, %get3A_655 : vector<16xf32>
        %swap3A_680 = arith.index_cast %add3A_665 : i32 to index
        %swap3A_681 = arith.constant 16 : index
        %swap3A_682 = tpu.vector_load %arg9[%swap3A_680, %swap3A_681] {strides = array<i32>} : memref<800x64xf32, #tpu.memory_space<vmem>>, vector<1x16xf32>,
        %swap3A_683 = vector.shape_cast %swap3A_682 : vector<1x16xf32> to vector<16xf32>
        %swap3A_684 = vector.shape_cast %add3A_679 : vector<16xf32> to vector<1x16xf32>
        tpu.vector_store %arg9[%swap3A_680, %swap3A_681], %swap3A_684 {strides = array<i32>} : memref<800x64xf32, #tpu.memory_space<vmem>>, vector<1x16xf32>,
        %get3A_685 = arith.index_cast %add3A_665 : i32 to index
        %get3A_686 = arith.constant 32 : index
        %get3A_687 = tpu.vector_load %arg9[%get3A_685, %get3A_686] {strides = array<i32>} : memref<800x64xf32, #tpu.memory_space<vmem>>, vector<1x16xf32>,
        %get3A_688 = vector.shape_cast %get3A_687 : vector<1x16xf32> to vector<16xf32>
        %add3A_689 = arith.addf %get3A_688, %get3A_659 : vector<16xf32>
        %swap3A_690 = arith.index_cast %add3A_665 : i32 to index
        %swap3A_691 = arith.constant 32 : index
        %swap3A_692 = tpu.vector_load %arg9[%swap3A_690, %swap3A_691] {strides = array<i32>} : memref<800x64xf32, #tpu.memory_space<vmem>>, vector<1x16xf32>,
        %swap3A_693 = vector.shape_cast %swap3A_692 : vector<1x16xf32> to vector<16xf32>
        %swap3A_694 = vector.shape_cast %add3A_689 : vector<16xf32> to vector<1x16xf32>
        tpu.vector_store %arg9[%swap3A_690, %swap3A_691], %swap3A_694 {strides = array<i32>} : memref<800x64xf32, #tpu.memory_space<vmem>>, vector<1x16xf32>,
        %get3A_695 = arith.index_cast %add3A_665 : i32 to index
        %get3A_696 = arith.constant 48 : index
        %get3A_697 = tpu.vector_load %arg9[%get3A_695, %get3A_696] {strides = array<i32>} : memref<800x64xf32, #tpu.memory_space<vmem>>, vector<1x16xf32>,
        %get3A_698 = vector.shape_cast %get3A_697 : vector<1x16xf32> to vector<16xf32>
        %add3A_699 = arith.addf %get3A_698, %get3A_663 : vector<16xf32>
        %swap3A_700 = arith.index_cast %add3A_665 : i32 to index
        %swap3A_701 = arith.constant 48 : index
        %swap3A_702 = tpu.vector_load %arg9[%swap3A_700, %swap3A_701] {strides = array<i32>} : memref<800x64xf32, #tpu.memory_space<vmem>>, vector<1x16xf32>,
        %swap3A_703 = vector.shape_cast %swap3A_702 : vector<1x16xf32> to vector<16xf32>
        %swap3A_704 = vector.shape_cast %add3A_699 : vector<16xf32> to vector<1x16xf32>
        tpu.vector_store %arg9[%swap3A_700, %swap3A_701], %swap3A_704 {strides = array<i32>} : memref<800x64xf32, #tpu.memory_space<vmem>>, vector<1x16xf32>,
        %add3A_705 = arith.constant 200 : i32
        %add3A_706 = arith.addi %add3A_705, %scan3A_648 : i32
        %get3A_707 = arith.index_cast %add3A_706 : i32 to index
        %get3A_708 = arith.constant 0 : index
        %get3A_709 = tpu.vector_load %arg9[%get3A_707, %get3A_708] {strides = array<i32>} : memref<800x64xf32, #tpu.memory_space<vmem>>, vector<1x16xf32>,
        %get3A_710 = vector.shape_cast %get3A_709 : vector<1x16xf32> to vector<16xf32>
        %add3A_711 = arith.addf %get3A_710, %get3A_651 : vector<16xf32>
        %swap3A_712 = arith.index_cast %add3A_706 : i32 to index
        %swap3A_713 = arith.constant 0 : index
        %swap3A_714 = tpu.vector_load %arg9[%swap3A_712, %swap3A_713] {strides = array<i32>} : memref<800x64xf32, #tpu.memory_space<vmem>>, vector<1x16xf32>,
        %swap3A_715 = vector.shape_cast %swap3A_714 : vector<1x16xf32> to vector<16xf32>
        %swap3A_716 = vector.shape_cast %add3A_711 : vector<16xf32> to vector<1x16xf32>
        tpu.vector_store %arg9[%swap3A_712, %swap3A_713], %swap3A_716 {strides = array<i32>} : memref<800x64xf32, #tpu.memory_space<vmem>>, vector<1x16xf32>,
        %get3A_717 = arith.index_cast %add3A_706 : i32 to index
        %get3A_718 = arith.constant 16 : index
        %get3A_719 = tpu.vector_load %arg9[%get3A_717, %get3A_718] {strides = array<i32>} : memref<800x64xf32, #tpu.memory_space<vmem>>, vector<1x16xf32>,
        %get3A_720 = vector.shape_cast %get3A_719 : vector<1x16xf32> to vector<16xf32>
        %add3A_721 = arith.addf %get3A_720, %get3A_655 : vector<16xf32>
        %swap3A_722 = arith.index_cast %add3A_706 : i32 to index
        %swap3A_723 = arith.constant 16 : index
        %swap3A_724 = tpu.vector_load %arg9[%swap3A_722, %swap3A_723] {strides = array<i32>} : memref<800x64xf32, #tpu.memory_space<vmem>>, vector<1x16xf32>,
        %swap3A_725 = vector.shape_cast %swap3A_724 : vector<1x16xf32> to vector<16xf32>
        %swap3A_726 = vector.shape_cast %add3A_721 : vector<16xf32> to vector<1x16xf32>
        tpu.vector_store %arg9[%swap3A_722, %swap3A_723], %swap3A_726 {strides = array<i32>} : memref<800x64xf32, #tpu.memory_space<vmem>>, vector<1x16xf32>,
        %get3A_727 = arith.index_cast %add3A_706 : i32 to index
        %get3A_728 = arith.constant 32 : index
        %get3A_729 = tpu.vector_load %arg9[%get3A_727, %get3A_728] {strides = array<i32>} : memref<800x64xf32, #tpu.memory_space<vmem>>, vector<1x16xf32>,
        %get3A_730 = vector.shape_cast %get3A_729 : vector<1x16xf32> to vector<16xf32>
        %add3A_731 = arith.addf %get3A_730, %get3A_659 : vector<16xf32>
        %swap3A_732 = arith.index_cast %add3A_706 : i32 to index
        %swap3A_733 = arith.constant 32 : index
        %swap3A_734 = tpu.vector_load %arg9[%swap3A_732, %swap3A_733] {strides = array<i32>} : memref<800x64xf32, #tpu.memory_space<vmem>>, vector<1x16xf32>,
        %swap3A_735 = vector.shape_cast %swap3A_734 : vector<1x16xf32> to vector<16xf32>
        %swap3A_736 = vector.shape_cast %add3A_731 : vector<16xf32> to vector<1x16xf32>
        tpu.vector_store %arg9[%swap3A_732, %swap3A_733], %swap3A_736 {strides = array<i32>} : memref<800x64xf32, #tpu.memory_space<vmem>>, vector<1x16xf32>,
        %get3A_737 = arith.index_cast %add3A_706 : i32 to index
        %get3A_738 = arith.constant 48 : index
        %get3A_739 = tpu.vector_load %arg9[%get3A_737, %get3A_738] {strides = array<i32>} : memref<800x64xf32, #tpu.memory_space<vmem>>, vector<1x16xf32>,
        %get3A_740 = vector.shape_cast %get3A_739 : vector<1x16xf32> to vector<16xf32>
        %add3A_741 = arith.addf %get3A_740, %get3A_663 : vector<16xf32>
        %swap3A_742 = arith.index_cast %add3A_706 : i32 to index
        %swap3A_743 = arith.constant 48 : index
        %swap3A_744 = tpu.vector_load %arg9[%swap3A_742, %swap3A_743] {strides = array<i32>} : memref<800x64xf32, #tpu.memory_space<vmem>>, vector<1x16xf32>,
        %swap3A_745 = vector.shape_cast %swap3A_744 : vector<1x16xf32> to vector<16xf32>
        %swap3A_746 = vector.shape_cast %add3A_741 : vector<16xf32> to vector<1x16xf32>
        tpu.vector_store %arg9[%swap3A_742, %swap3A_743], %swap3A_746 {strides = array<i32>} : memref<800x64xf32, #tpu.memory_space<vmem>>, vector<1x16xf32>,
        %add3A_747 = arith.constant 400 : i32
        %add3A_748 = arith.addi %add3A_747, %scan3A_648 : i32
        %get3A_749 = arith.index_cast %add3A_748 : i32 to index
        %get3A_750 = arith.constant 0 : index
        %get3A_751 = tpu.vector_load %arg9[%get3A_749, %get3A_750] {strides = array<i32>} : memref<800x64xf32, #tpu.memory_space<vmem>>, vector<1x16xf32>,
        %get3A_752 = vector.shape_cast %get3A_751 : vector<1x16xf32> to vector<16xf32>
        %add3A_753 = arith.addf %get3A_752, %get3A_651 : vector<16xf32>
        %swap3A_754 = arith.index_cast %add3A_748 : i32 to index
        %swap3A_755 = arith.constant 0 : index
        %swap3A_756 = tpu.vector_load %arg9[%swap3A_754, %swap3A_755] {strides = array<i32>} : memref<800x64xf32, #tpu.memory_space<vmem>>, vector<1x16xf32>,
        %swap3A_757 = vector.shape_cast %swap3A_756 : vector<1x16xf32> to vector<16xf32>
        %swap3A_758 = vector.shape_cast %add3A_753 : vector<16xf32> to vector<1x16xf32>
        tpu.vector_store %arg9[%swap3A_754, %swap3A_755], %swap3A_758 {strides = array<i32>} : memref<800x64xf32, #tpu.memory_space<vmem>>, vector<1x16xf32>,
        %get3A_759 = arith.index_cast %add3A_748 : i32 to index
        %get3A_760 = arith.constant 16 : index
        %get3A_761 = tpu.vector_load %arg9[%get3A_759, %get3A_760] {strides = array<i32>} : memref<800x64xf32, #tpu.memory_space<vmem>>, vector<1x16xf32>,
        %get3A_762 = vector.shape_cast %get3A_761 : vector<1x16xf32> to vector<16xf32>
        %add3A_763 = arith.addf %get3A_762, %get3A_655 : vector<16xf32>
        %swap3A_764 = arith.index_cast %add3A_748 : i32 to index
        %swap3A_765 = arith.constant 16 : index
        %swap3A_766 = tpu.vector_load %arg9[%swap3A_764, %swap3A_765] {strides = array<i32>} : memref<800x64xf32, #tpu.memory_space<vmem>>, vector<1x16xf32>,
        %swap3A_767 = vector.shape_cast %swap3A_766 : vector<1x16xf32> to vector<16xf32>
        %swap3A_768 = vector.shape_cast %add3A_763 : vector<16xf32> to vector<1x16xf32>
        tpu.vector_store %arg9[%swap3A_764, %swap3A_765], %swap3A_768 {strides = array<i32>} : memref<800x64xf32, #tpu.memory_space<vmem>>, vector<1x16xf32>,
        %get3A_769 = arith.index_cast %add3A_748 : i32 to index
        %get3A_770 = arith.constant 32 : index
        %get3A_771 = tpu.vector_load %arg9[%get3A_769, %get3A_770] {strides = array<i32>} : memref<800x64xf32, #tpu.memory_space<vmem>>, vector<1x16xf32>,
        %get3A_772 = vector.shape_cast %get3A_771 : vector<1x16xf32> to vector<16xf32>
        %add3A_773 = arith.addf %get3A_772, %get3A_659 : vector<16xf32>
        %swap3A_774 = arith.index_cast %add3A_748 : i32 to index
        %swap3A_775 = arith.constant 32 : index
        %swap3A_776 = tpu.vector_load %arg9[%swap3A_774, %swap3A_775] {strides = array<i32>} : memref<800x64xf32, #tpu.memory_space<vmem>>, vector<1x16xf32>,
        %swap3A_777 = vector.shape_cast %swap3A_776 : vector<1x16xf32> to vector<16xf32>
        %swap3A_778 = vector.shape_cast %add3A_773 : vector<16xf32> to vector<1x16xf32>
        tpu.vector_store %arg9[%swap3A_774, %swap3A_775], %swap3A_778 {strides = array<i32>} : memref<800x64xf32, #tpu.memory_space<vmem>>, vector<1x16xf32>,
        %get3A_779 = arith.index_cast %add3A_748 : i32 to index
        %get3A_780 = arith.constant 48 : index
        %get3A_781 = tpu.vector_load %arg9[%get3A_779, %get3A_780] {strides = array<i32>} : memref<800x64xf32, #tpu.memory_space<vmem>>, vector<1x16xf32>,
        %get3A_782 = vector.shape_cast %get3A_781 : vector<1x16xf32> to vector<16xf32>
        %add3A_783 = arith.addf %get3A_782, %get3A_663 : vector<16xf32>
        %swap3A_784 = arith.index_cast %add3A_748 : i32 to index
        %swap3A_785 = arith.constant 48 : index
        %swap3A_786 = tpu.vector_load %arg9[%swap3A_784, %swap3A_785] {strides = array<i32>} : memref<800x64xf32, #tpu.memory_space<vmem>>, vector<1x16xf32>,
        %swap3A_787 = vector.shape_cast %swap3A_786 : vector<1x16xf32> to vector<16xf32>
        %swap3A_788 = vector.shape_cast %add3A_783 : vector<16xf32> to vector<1x16xf32>
        tpu.vector_store %arg9[%swap3A_784, %swap3A_785], %swap3A_788 {strides = array<i32>} : memref<800x64xf32, #tpu.memory_space<vmem>>, vector<1x16xf32>,
        %add3A_789 = arith.constant 600 : i32
        %add3A_790 = arith.addi %add3A_789, %scan3A_648 : i32
        %get3A_791 = arith.index_cast %add3A_790 : i32 to index
        %get3A_792 = arith.constant 0 : index
        %get3A_793 = tpu.vector_load %arg9[%get3A_791, %get3A_792] {strides = array<i32>} : memref<800x64xf32, #tpu.memory_space<vmem>>, vector<1x16xf32>,
        %get3A_794 = vector.shape_cast %get3A_793 : vector<1x16xf32> to vector<16xf32>
        %add3A_795 = arith.addf %get3A_794, %get3A_651 : vector<16xf32>
        %swap3A_796 = arith.index_cast %add3A_790 : i32 to index
        %swap3A_797 = arith.constant 0 : index
        %swap3A_798 = tpu.vector_load %arg9[%swap3A_796, %swap3A_797] {strides = array<i32>} : memref<800x64xf32, #tpu.memory_space<vmem>>, vector<1x16xf32>,
        %swap3A_799 = vector.shape_cast %swap3A_798 : vector<1x16xf32> to vector<16xf32>
        %swap3A_800 = vector.shape_cast %add3A_795 : vector<16xf32> to vector<1x16xf32>
        tpu.vector_store %arg9[%swap3A_796, %swap3A_797], %swap3A_800 {strides = array<i32>} : memref<800x64xf32, #tpu.memory_space<vmem>>, vector<1x16xf32>,
        %get3A_801 = arith.index_cast %add3A_790 : i32 to index
        %get3A_802 = arith.constant 16 : index
        %get3A_803 = tpu.vector_load %arg9[%get3A_801, %get3A_802] {strides = array<i32>} : memref<800x64xf32, #tpu.memory_space<vmem>>, vector<1x16xf32>,
        %get3A_804 = vector.shape_cast %get3A_803 : vector<1x16xf32> to vector<16xf32>
        %add3A_805 = arith.addf %get3A_804, %get3A_655 : vector<16xf32>
        %swap3A_806 = arith.index_cast %add3A_790 : i32 to index
        %swap3A_807 = arith.constant 16 : index
        %swap3A_808 = tpu.vector_load %arg9[%swap3A_806, %swap3A_807] {strides = array<i32>} : memref<800x64xf32, #tpu.memory_space<vmem>>, vector<1x16xf32>,
        %swap3A_809 = vector.shape_cast %swap3A_808 : vector<1x16xf32> to vector<16xf32>
        %swap3A_810 = vector.shape_cast %add3A_805 : vector<16xf32> to vector<1x16xf32>
        tpu.vector_store %arg9[%swap3A_806, %swap3A_807], %swap3A_810 {strides = array<i32>} : memref<800x64xf32, #tpu.memory_space<vmem>>, vector<1x16xf32>,
        %get3A_811 = arith.index_cast %add3A_790 : i32 to index
        %get3A_812 = arith.constant 32 : index
        %get3A_813 = tpu.vector_load %arg9[%get3A_811, %get3A_812] {strides = array<i32>} : memref<800x64xf32, #tpu.memory_space<vmem>>, vector<1x16xf32>,
        %get3A_814 = vector.shape_cast %get3A_813 : vector<1x16xf32> to vector<16xf32>
        %add3A_815 = arith.addf %get3A_814, %get3A_659 : vector<16xf32>
        %swap3A_816 = arith.index_cast %add3A_790 : i32 to index
        %swap3A_817 = arith.constant 32 : index
        %swap3A_818 = tpu.vector_load %arg9[%swap3A_816, %swap3A_817] {strides = array<i32>} : memref<800x64xf32, #tpu.memory_space<vmem>>, vector<1x16xf32>,
        %swap3A_819 = vector.shape_cast %swap3A_818 : vector<1x16xf32> to vector<16xf32>
        %swap3A_820 = vector.shape_cast %add3A_815 : vector<16xf32> to vector<1x16xf32>
        tpu.vector_store %arg9[%swap3A_816, %swap3A_817], %swap3A_820 {strides = array<i32>} : memref<800x64xf32, #tpu.memory_space<vmem>>, vector<1x16xf32>,
        %get3A_821 = arith.index_cast %add3A_790 : i32 to index
        %get3A_822 = arith.constant 48 : index
        %get3A_823 = tpu.vector_load %arg9[%get3A_821, %get3A_822] {strides = array<i32>} : memref<800x64xf32, #tpu.memory_space<vmem>>, vector<1x16xf32>,
        %get3A_824 = vector.shape_cast %get3A_823 : vector<1x16xf32> to vector<16xf32>
        %add3A_825 = arith.addf %get3A_824, %get3A_663 : vector<16xf32>
        %swap3A_826 = arith.index_cast %add3A_790 : i32 to index
        %swap3A_827 = arith.constant 48 : index
        %swap3A_828 = tpu.vector_load %arg9[%swap3A_826, %swap3A_827] {strides = array<i32>} : memref<800x64xf32, #tpu.memory_space<vmem>>, vector<1x16xf32>,
        %swap3A_829 = vector.shape_cast %swap3A_828 : vector<1x16xf32> to vector<16xf32>
        %swap3A_830 = vector.shape_cast %add3A_825 : vector<16xf32> to vector<1x16xf32>
        tpu.vector_store %arg9[%swap3A_826, %swap3A_827], %swap3A_830 {strides = array<i32>} : memref<800x64xf32, #tpu.memory_space<vmem>>, vector<1x16xf32>,
      }
      %scan3A_383 = arith.constant 200 : i32
      %mul3A_384 = arith.constant 800 : i32
      %mul3A_385 = arith.muli %mul3A_210, %mul3A_384 : i32
      %add3A_386 = arith.addi %mul3A_2, %mul3A_385 : i32
      %jit3A = arith.constant 200 : i32
      %div3A = arith.divsi %add3A_386, %jit3A : i32
      %sign3A = arith.constant 0 : i32
      %sign3A_387 = arith.cmpi sgt, %add3A_386, %sign3A : i32
      %sign3A_388 = arith.extui %sign3A_387 : i1 to i32
      %sign3A_389 = arith.constant 0 : i32
      %sign3A_390 = arith.cmpi slt, %add3A_386, %sign3A_389 : i32
      %sign3A_391 = arith.extui %sign3A_390 : i1 to i32
      %sign3A_392 = arith.subi %sign3A_388, %sign3A_391 : i32
      %sign3A_393 = arith.constant 0 : i32
      %sign3A_394 = arith.cmpi sgt, %jit3A, %sign3A_393 : i32
      %sign3A_395 = arith.extui %sign3A_394 : i1 to i32
      %sign3A_396 = arith.constant 0 : i32
      %sign3A_397 = arith.cmpi slt, %jit3A, %sign3A_396 : i32
      %sign3A_398 = arith.extui %sign3A_397 : i1 to i32
      %sign3A_399 = arith.subi %sign3A_395, %sign3A_398 : i32
      %ne3A = arith.cmpi ne, %sign3A_392, %sign3A_399 : i32
      %rem3A = arith.remsi %add3A_386, %jit3A : i32
      %ne3A_400 = arith.constant 0 : i32
      %ne3A_401 = arith.cmpi ne, %rem3A, %ne3A_400 : i32
      %and3A = arith.andi %ne3A, %ne3A_401 : i1
      %sub3A = arith.constant 1 : i32
      %sub3A_402 = arith.subi %div3A, %sub3A : i32
      %select_n3A = arith.select %and3A, %sub3A_402, %div3A : i32
      %add3A_403 = arith.constant 0 : i32
      %add3A_404 = arith.addi %select_n3A, %add3A_403 : i32
      %dma_start3A_405 = arith.constant 0 : i32
      %dma_start3A_406 = arith.constant 0 : i32
      %dma_start3A_407 = tpu.memref_slice %arg9[%dma_start3A_405, %dma_start3A_406] : memref<800x64xf32, #tpu.memory_space<vmem>> -> memref<200x64xf32, #tpu.memory_space<vmem>>
      %dma_start3A_408 = arith.constant 0 : i32
      %dma_start3A_409 = arith.constant 0 : i32
      %dma_start3A_410 = tpu.memref_slice %arg5[%add3A_404, %dma_start3A_408, %dma_start3A_409] : memref<4096x200x128xf32, #tpu.memory_space<hbm>> -> memref<1x200x64xf32, #tpu.memory_space<hbm>>
      %dma_start3A_411 = tpu.memref_squeeze %dma_start3A_410 : memref<1x200x64xf32, #tpu.memory_space<hbm>> -> memref<200x64xf32, #tpu.memory_space<hbm>>
      %dma_start3A_412 = arith.constant 0 : i32
      %dma_start3A_413 = arith.constant 0 : i32
      %dma_start3A_414 = tpu.memref_slice %arg5[%add3A_404, %dma_start3A_412, %dma_start3A_413] : memref<4096x200x128xf32, #tpu.memory_space<hbm>> -> memref<1x200x64xf32, #tpu.memory_space<hbm>>
      %dma_start3A_415 = tpu.memref_squeeze %dma_start3A_414 : memref<1x200x64xf32, #tpu.memory_space<hbm>> -> memref<200x64xf32, #tpu.memory_space<hbm>>
      %dma_start3A_416 = arith.constant 0 : i32
      %dma_start3A_417 = arith.constant 0 : i32
      %dma_start3A_418 = tpu.memref_slice %arg9[%dma_start3A_416, %dma_start3A_417] : memref<800x64xf32, #tpu.memory_space<vmem>> -> memref<200x64xf32, #tpu.memory_space<vmem>>
      tpu.enqueue_dma source(%dma_start3A_418 : memref<200x64xf32, #tpu.memory_space<vmem>>) target(%dma_start3A_415 : memref<200x64xf32, #tpu.memory_space<hbm>>) target_semaphore(%arg13 : memref<!tpu.dma_semaphore, #tpu.memory_space<semaphore_mem>>)
      %add3A_419 = arith.constant 1 : i32
      %add3A_420 = arith.addi %select_n3A, %add3A_419 : i32
      %dma_start3A_421 = arith.constant 200 : i32
      %dma_start3A_422 = arith.constant 0 : i32
      %dma_start3A_423 = tpu.memref_slice %arg9[%dma_start3A_421, %dma_start3A_422] : memref<800x64xf32, #tpu.memory_space<vmem>> -> memref<200x64xf32, #tpu.memory_space<vmem>>
      %dma_start3A_424 = arith.constant 0 : i32
      %dma_start3A_425 = arith.constant 0 : i32
      %dma_start3A_426 = tpu.memref_slice %arg5[%add3A_420, %dma_start3A_424, %dma_start3A_425] : memref<4096x200x128xf32, #tpu.memory_space<hbm>> -> memref<1x200x64xf32, #tpu.memory_space<hbm>>
      %dma_start3A_427 = tpu.memref_squeeze %dma_start3A_426 : memref<1x200x64xf32, #tpu.memory_space<hbm>> -> memref<200x64xf32, #tpu.memory_space<hbm>>
      %dma_start3A_428 = arith.constant 0 : i32
      %dma_start3A_429 = arith.constant 0 : i32
      %dma_start3A_430 = tpu.memref_slice %arg5[%add3A_420, %dma_start3A_428, %dma_start3A_429] : memref<4096x200x128xf32, #tpu.memory_space<hbm>> -> memref<1x200x64xf32, #tpu.memory_space<hbm>>
      %dma_start3A_431 = tpu.memref_squeeze %dma_start3A_430 : memref<1x200x64xf32, #tpu.memory_space<hbm>> -> memref<200x64xf32, #tpu.memory_space<hbm>>
      %dma_start3A_432 = arith.constant 200 : i32
      %dma_start3A_433 = arith.constant 0 : i32
      %dma_start3A_434 = tpu.memref_slice %arg9[%dma_start3A_432, %dma_start3A_433] : memref<800x64xf32, #tpu.memory_space<vmem>> -> memref<200x64xf32, #tpu.memory_space<vmem>>
      tpu.enqueue_dma source(%dma_start3A_434 : memref<200x64xf32, #tpu.memory_space<vmem>>) target(%dma_start3A_431 : memref<200x64xf32, #tpu.memory_space<hbm>>) target_semaphore(%arg13 : memref<!tpu.dma_semaphore, #tpu.memory_space<semaphore_mem>>)
      %add3A_435 = arith.constant 2 : i32
      %add3A_436 = arith.addi %select_n3A, %add3A_435 : i32
      %dma_start3A_437 = arith.constant 400 : i32
      %dma_start3A_438 = arith.constant 0 : i32
      %dma_start3A_439 = tpu.memref_slice %arg9[%dma_start3A_437, %dma_start3A_438] : memref<800x64xf32, #tpu.memory_space<vmem>> -> memref<200x64xf32, #tpu.memory_space<vmem>>
      %dma_start3A_440 = arith.constant 0 : i32
      %dma_start3A_441 = arith.constant 0 : i32
      %dma_start3A_442 = tpu.memref_slice %arg5[%add3A_436, %dma_start3A_440, %dma_start3A_441] : memref<4096x200x128xf32, #tpu.memory_space<hbm>> -> memref<1x200x64xf32, #tpu.memory_space<hbm>>
      %dma_start3A_443 = tpu.memref_squeeze %dma_start3A_442 : memref<1x200x64xf32, #tpu.memory_space<hbm>> -> memref<200x64xf32, #tpu.memory_space<hbm>>
      %dma_start3A_444 = arith.constant 0 : i32
      %dma_start3A_445 = arith.constant 0 : i32
      %dma_start3A_446 = tpu.memref_slice %arg5[%add3A_436, %dma_start3A_444, %dma_start3A_445] : memref<4096x200x128xf32, #tpu.memory_space<hbm>> -> memref<1x200x64xf32, #tpu.memory_space<hbm>>
      %dma_start3A_447 = tpu.memref_squeeze %dma_start3A_446 : memref<1x200x64xf32, #tpu.memory_space<hbm>> -> memref<200x64xf32, #tpu.memory_space<hbm>>
      %dma_start3A_448 = arith.constant 400 : i32
      %dma_start3A_449 = arith.constant 0 : i32
      %dma_start3A_450 = tpu.memref_slice %arg9[%dma_start3A_448, %dma_start3A_449] : memref<800x64xf32, #tpu.memory_space<vmem>> -> memref<200x64xf32, #tpu.memory_space<vmem>>
      tpu.enqueue_dma source(%dma_start3A_450 : memref<200x64xf32, #tpu.memory_space<vmem>>) target(%dma_start3A_447 : memref<200x64xf32, #tpu.memory_space<hbm>>) target_semaphore(%arg13 : memref<!tpu.dma_semaphore, #tpu.memory_space<semaphore_mem>>)
      %add3A_451 = arith.constant 3 : i32
      %add3A_452 = arith.addi %select_n3A, %add3A_451 : i32
      %dma_start3A_453 = arith.constant 600 : i32
      %dma_start3A_454 = arith.constant 0 : i32
      %dma_start3A_455 = tpu.memref_slice %arg9[%dma_start3A_453, %dma_start3A_454] : memref<800x64xf32, #tpu.memory_space<vmem>> -> memref<200x64xf32, #tpu.memory_space<vmem>>
      %dma_start3A_456 = arith.constant 0 : i32
      %dma_start3A_457 = arith.constant 0 : i32
      %dma_start3A_458 = tpu.memref_slice %arg5[%add3A_452, %dma_start3A_456, %dma_start3A_457] : memref<4096x200x128xf32, #tpu.memory_space<hbm>> -> memref<1x200x64xf32, #tpu.memory_space<hbm>>
      %dma_start3A_459 = tpu.memref_squeeze %dma_start3A_458 : memref<1x200x64xf32, #tpu.memory_space<hbm>> -> memref<200x64xf32, #tpu.memory_space<hbm>>
      %dma_start3A_460 = arith.constant 0 : i32
      %dma_start3A_461 = arith.constant 0 : i32
      %dma_start3A_462 = tpu.memref_slice %arg5[%add3A_452, %dma_start3A_460, %dma_start3A_461] : memref<4096x200x128xf32, #tpu.memory_space<hbm>> -> memref<1x200x64xf32, #tpu.memory_space<hbm>>
      %dma_start3A_463 = tpu.memref_squeeze %dma_start3A_462 : memref<1x200x64xf32, #tpu.memory_space<hbm>> -> memref<200x64xf32, #tpu.memory_space<hbm>>
      %dma_start3A_464 = arith.constant 600 : i32
      %dma_start3A_465 = arith.constant 0 : i32
      %dma_start3A_466 = tpu.memref_slice %arg9[%dma_start3A_464, %dma_start3A_465] : memref<800x64xf32, #tpu.memory_space<vmem>> -> memref<200x64xf32, #tpu.memory_space<vmem>>
      tpu.enqueue_dma source(%dma_start3A_466 : memref<200x64xf32, #tpu.memory_space<vmem>>) target(%dma_start3A_463 : memref<200x64xf32, #tpu.memory_space<hbm>>) target_semaphore(%arg13 : memref<!tpu.dma_semaphore, #tpu.memory_space<semaphore_mem>>)
      %lt3A = arith.constant 15 : i32
      %lt3A_467 = arith.cmpi slt, %scan3A_208, %lt3A : i32
      %convert_element_type3A_468 = arith.extui %lt3A_467 : i1 to i32
      %cond3A_469 = arith.constant 0 : i32
      %cond3A_470 = arith.cmpi ne, %convert_element_type3A_468, %cond3A_469 : i32
      scf.if %cond3A_470 {
        %dma_wait3A_648 = arith.constant 0 : i32
        %dma_wait3A_649 = arith.constant 0 : i32
        %dma_wait3A_650 = arith.constant 0 : i32
        %dma_wait3A_651 = tpu.memref_slice %arg9[%dma_wait3A_649, %dma_wait3A_650] : memref<800x64xf32, #tpu.memory_space<vmem>> -> memref<200x64xf32, #tpu.memory_space<vmem>>
        %dma_wait3A_652 = arith.constant 0 : i32
        %dma_wait3A_653 = arith.constant 0 : i32
        %dma_wait3A_654 = tpu.memref_slice %arg5[%dma_wait3A_648, %dma_wait3A_652, %dma_wait3A_653] : memref<4096x200x128xf32, #tpu.memory_space<hbm>> -> memref<1x200x64xf32, #tpu.memory_space<hbm>>
        %dma_wait3A_655 = tpu.memref_squeeze %dma_wait3A_654 : memref<1x200x64xf32, #tpu.memory_space<hbm>> -> memref<200x64xf32, #tpu.memory_space<hbm>>
        %dma_wait3A_656 = arith.constant 0 : i32
        %dma_wait3A_657 = arith.constant 0 : i32
        %dma_wait3A_658 = tpu.memref_slice %arg5[%dma_wait3A_648, %dma_wait3A_656, %dma_wait3A_657] : memref<4096x200x128xf32, #tpu.memory_space<hbm>> -> memref<1x200x64xf32, #tpu.memory_space<hbm>>
        %dma_wait3A_659 = tpu.memref_squeeze %dma_wait3A_658 : memref<1x200x64xf32, #tpu.memory_space<hbm>> -> memref<200x64xf32, #tpu.memory_space<hbm>>
        %dma_wait3A_660 = arith.constant 0 : i32
        %dma_wait3A_661 = arith.constant 0 : i32
        %dma_wait3A_662 = tpu.memref_slice %arg9[%dma_wait3A_660, %dma_wait3A_661] : memref<800x64xf32, #tpu.memory_space<vmem>> -> memref<200x64xf32, #tpu.memory_space<vmem>>
        tpu.wait_dma2 semaphore(%arg13 : memref<!tpu.dma_semaphore, #tpu.memory_space<semaphore_mem>>) src(%dma_wait3A_662 : memref<200x64xf32, #tpu.memory_space<vmem>>) dst(%dma_wait3A_659 : memref<200x64xf32, #tpu.memory_space<hbm>>)
        %dma_wait3A_663 = arith.constant 1 : i32
        %dma_wait3A_664 = arith.constant 200 : i32
        %dma_wait3A_665 = arith.constant 0 : i32
        %dma_wait3A_666 = tpu.memref_slice %arg9[%dma_wait3A_664, %dma_wait3A_665] : memref<800x64xf32, #tpu.memory_space<vmem>> -> memref<200x64xf32, #tpu.memory_space<vmem>>
        %dma_wait3A_667 = arith.constant 0 : i32
        %dma_wait3A_668 = arith.constant 0 : i32
        %dma_wait3A_669 = tpu.memref_slice %arg5[%dma_wait3A_663, %dma_wait3A_667, %dma_wait3A_668] : memref<4096x200x128xf32, #tpu.memory_space<hbm>> -> memref<1x200x64xf32, #tpu.memory_space<hbm>>
        %dma_wait3A_670 = tpu.memref_squeeze %dma_wait3A_669 : memref<1x200x64xf32, #tpu.memory_space<hbm>> -> memref<200x64xf32, #tpu.memory_space<hbm>>
        %dma_wait3A_671 = arith.constant 0 : i32
        %dma_wait3A_672 = arith.constant 0 : i32
        %dma_wait3A_673 = tpu.memref_slice %arg5[%dma_wait3A_663, %dma_wait3A_671, %dma_wait3A_672] : memref<4096x200x128xf32, #tpu.memory_space<hbm>> -> memref<1x200x64xf32, #tpu.memory_space<hbm>>
        %dma_wait3A_674 = tpu.memref_squeeze %dma_wait3A_673 : memref<1x200x64xf32, #tpu.memory_space<hbm>> -> memref<200x64xf32, #tpu.memory_space<hbm>>
        %dma_wait3A_675 = arith.constant 200 : i32
        %dma_wait3A_676 = arith.constant 0 : i32
        %dma_wait3A_677 = tpu.memref_slice %arg9[%dma_wait3A_675, %dma_wait3A_676] : memref<800x64xf32, #tpu.memory_space<vmem>> -> memref<200x64xf32, #tpu.memory_space<vmem>>
        tpu.wait_dma2 semaphore(%arg13 : memref<!tpu.dma_semaphore, #tpu.memory_space<semaphore_mem>>) src(%dma_wait3A_677 : memref<200x64xf32, #tpu.memory_space<vmem>>) dst(%dma_wait3A_674 : memref<200x64xf32, #tpu.memory_space<hbm>>)
        %dma_wait3A_678 = arith.constant 2 : i32
        %dma_wait3A_679 = arith.constant 400 : i32
        %dma_wait3A_680 = arith.constant 0 : i32
        %dma_wait3A_681 = tpu.memref_slice %arg9[%dma_wait3A_679, %dma_wait3A_680] : memref<800x64xf32, #tpu.memory_space<vmem>> -> memref<200x64xf32, #tpu.memory_space<vmem>>
        %dma_wait3A_682 = arith.constant 0 : i32
        %dma_wait3A_683 = arith.constant 0 : i32
        %dma_wait3A_684 = tpu.memref_slice %arg5[%dma_wait3A_678, %dma_wait3A_682, %dma_wait3A_683] : memref<4096x200x128xf32, #tpu.memory_space<hbm>> -> memref<1x200x64xf32, #tpu.memory_space<hbm>>
        %dma_wait3A_685 = tpu.memref_squeeze %dma_wait3A_684 : memref<1x200x64xf32, #tpu.memory_space<hbm>> -> memref<200x64xf32, #tpu.memory_space<hbm>>
        %dma_wait3A_686 = arith.constant 0 : i32
        %dma_wait3A_687 = arith.constant 0 : i32
        %dma_wait3A_688 = tpu.memref_slice %arg5[%dma_wait3A_678, %dma_wait3A_686, %dma_wait3A_687] : memref<4096x200x128xf32, #tpu.memory_space<hbm>> -> memref<1x200x64xf32, #tpu.memory_space<hbm>>
        %dma_wait3A_689 = tpu.memref_squeeze %dma_wait3A_688 : memref<1x200x64xf32, #tpu.memory_space<hbm>> -> memref<200x64xf32, #tpu.memory_space<hbm>>
        %dma_wait3A_690 = arith.constant 400 : i32
        %dma_wait3A_691 = arith.constant 0 : i32
        %dma_wait3A_692 = tpu.memref_slice %arg9[%dma_wait3A_690, %dma_wait3A_691] : memref<800x64xf32, #tpu.memory_space<vmem>> -> memref<200x64xf32, #tpu.memory_space<vmem>>
        tpu.wait_dma2 semaphore(%arg13 : memref<!tpu.dma_semaphore, #tpu.memory_space<semaphore_mem>>) src(%dma_wait3A_692 : memref<200x64xf32, #tpu.memory_space<vmem>>) dst(%dma_wait3A_689 : memref<200x64xf32, #tpu.memory_space<hbm>>)
        %dma_wait3A_693 = arith.constant 3 : i32
        %dma_wait3A_694 = arith.constant 600 : i32
        %dma_wait3A_695 = arith.constant 0 : i32
        %dma_wait3A_696 = tpu.memref_slice %arg9[%dma_wait3A_694, %dma_wait3A_695] : memref<800x64xf32, #tpu.memory_space<vmem>> -> memref<200x64xf32, #tpu.memory_space<vmem>>
        %dma_wait3A_697 = arith.constant 0 : i32
        %dma_wait3A_698 = arith.constant 0 : i32
        %dma_wait3A_699 = tpu.memref_slice %arg5[%dma_wait3A_693, %dma_wait3A_697, %dma_wait3A_698] : memref<4096x200x128xf32, #tpu.memory_space<hbm>> -> memref<1x200x64xf32, #tpu.memory_space<hbm>>
        %dma_wait3A_700 = tpu.memref_squeeze %dma_wait3A_699 : memref<1x200x64xf32, #tpu.memory_space<hbm>> -> memref<200x64xf32, #tpu.memory_space<hbm>>
        %dma_wait3A_701 = arith.constant 0 : i32
        %dma_wait3A_702 = arith.constant 0 : i32
        %dma_wait3A_703 = tpu.memref_slice %arg5[%dma_wait3A_693, %dma_wait3A_701, %dma_wait3A_702] : memref<4096x200x128xf32, #tpu.memory_space<hbm>> -> memref<1x200x64xf32, #tpu.memory_space<hbm>>
        %dma_wait3A_704 = tpu.memref_squeeze %dma_wait3A_703 : memref<1x200x64xf32, #tpu.memory_space<hbm>> -> memref<200x64xf32, #tpu.memory_space<hbm>>
        %dma_wait3A_705 = arith.constant 600 : i32
        %dma_wait3A_706 = arith.constant 0 : i32
        %dma_wait3A_707 = tpu.memref_slice %arg9[%dma_wait3A_705, %dma_wait3A_706] : memref<800x64xf32, #tpu.memory_space<vmem>> -> memref<200x64xf32, #tpu.memory_space<vmem>>
        tpu.wait_dma2 semaphore(%arg13 : memref<!tpu.dma_semaphore, #tpu.memory_space<semaphore_mem>>) src(%dma_wait3A_707 : memref<200x64xf32, #tpu.memory_space<vmem>>) dst(%dma_wait3A_704 : memref<200x64xf32, #tpu.memory_space<hbm>>)
        %add3A_708 = arith.constant 2 : i32
        %add3A_709 = arith.addi %mul3A_210, %add3A_708 : i32
        %mul3A_710 = arith.constant 800 : i32
        %mul3A_711 = arith.muli %add3A_709, %mul3A_710 : i32
        %add3A_712 = arith.addi %mul3A_2, %mul3A_711 : i32
        "tpu.region"() ({
          %run_scoped3A = tpu.sem_alloc : memref<!tpu.dma_semaphore, #tpu.memory_space<semaphore_mem>>
          %dma_start3A_793 = tpu.memref_slice %arg2[%add3A_712] : memref<819200xi32, #tpu.memory_space<hbm>> -> memref<800xi32, #tpu.memory_space<hbm>>
          %dma_start3A_794 = tpu.memref_slice %arg2[%add3A_712] : memref<819200xi32, #tpu.memory_space<hbm>> -> memref<800xi32, #tpu.memory_space<hbm>>
          tpu.enqueue_dma source(%dma_start3A_794 : memref<800xi32, #tpu.memory_space<hbm>>) target(%arg7 : memref<800xi32, #tpu.memory_space<vmem>>) target_semaphore(%run_scoped3A : memref<!tpu.dma_semaphore, #tpu.memory_space<semaphore_mem>>)
          %dma_wait3A_795 = tpu.memref_slice %arg2[%add3A_712] : memref<819200xi32, #tpu.memory_space<hbm>> -> memref<800xi32, #tpu.memory_space<hbm>>
          %dma_wait3A_796 = tpu.memref_slice %arg2[%add3A_712] : memref<819200xi32, #tpu.memory_space<hbm>> -> memref<800xi32, #tpu.memory_space<hbm>>
          tpu.wait_dma2 semaphore(%run_scoped3A : memref<!tpu.dma_semaphore, #tpu.memory_space<semaphore_mem>>) src(%dma_wait3A_796 : memref<800xi32, #tpu.memory_space<hbm>>) dst(%arg7 : memref<800xi32, #tpu.memory_space<vmem>>)
          tpu.yield
        }) : () -> ()
        %dma_start3A_713 = arith.constant 0 : i32
        %dma_start3A_714 = arith.constant 0 : i32
        %dma_start3A_715 = tpu.memref_slice %arg9[%dma_start3A_713, %dma_start3A_714] : memref<800x64xf32, #tpu.memory_space<vmem>> -> memref<80x64xf32, #tpu.memory_space<vmem>>
        %dma_start3A_716 = arith.constant 0 : i32
        %dma_start3A_717 = tpu.memref_slice %arg7[%dma_start3A_716] : memref<800xi32, #tpu.memory_space<vmem>> -> memref<80xi32, #tpu.memory_space<vmem>>
        %dma_start3A_718 = arith.constant 0 : i32
        %dma_start3A_719 = arith.constant 0 : i32
        %dma_start3A_720 = tpu.memref_slice %arg3[%dma_start3A_718, %dma_start3A_719] : memref<100000x64xf32, #tpu.memory_space<hbm>> -> memref<100000x64xf32, #tpu.memory_space<hbm>>
        tpu.enqueue_indirect_dma source(%dma_start3A_720 : memref<100000x64xf32, #tpu.memory_space<hbm>>) target(%dma_start3A_715 : memref<80x64xf32, #tpu.memory_space<vmem>>) offsets(%dma_start3A_717 : memref<80xi32, #tpu.memory_space<vmem>>) semaphore(%arg11 : memref<!tpu.dma_semaphore, #tpu.memory_space<semaphore_mem>>)
        %dma_start3A_721 = arith.constant 80 : i32
        %dma_start3A_722 = arith.constant 0 : i32
        %dma_start3A_723 = tpu.memref_slice %arg9[%dma_start3A_721, %dma_start3A_722] : memref<800x64xf32, #tpu.memory_space<vmem>> -> memref<80x64xf32, #tpu.memory_space<vmem>>
        %dma_start3A_724 = arith.constant 80 : i32
        %dma_start3A_725 = tpu.memref_slice %arg7[%dma_start3A_724] : memref<800xi32, #tpu.memory_space<vmem>> -> memref<80xi32, #tpu.memory_space<vmem>>
        %dma_start3A_726 = arith.constant 0 : i32
        %dma_start3A_727 = arith.constant 0 : i32
        %dma_start3A_728 = tpu.memref_slice %arg3[%dma_start3A_726, %dma_start3A_727] : memref<100000x64xf32, #tpu.memory_space<hbm>> -> memref<100000x64xf32, #tpu.memory_space<hbm>>
        tpu.enqueue_indirect_dma source(%dma_start3A_728 : memref<100000x64xf32, #tpu.memory_space<hbm>>) target(%dma_start3A_723 : memref<80x64xf32, #tpu.memory_space<vmem>>) offsets(%dma_start3A_725 : memref<80xi32, #tpu.memory_space<vmem>>) semaphore(%arg11 : memref<!tpu.dma_semaphore, #tpu.memory_space<semaphore_mem>>)
        %dma_start3A_729 = arith.constant 160 : i32
        %dma_start3A_730 = arith.constant 0 : i32
        %dma_start3A_731 = tpu.memref_slice %arg9[%dma_start3A_729, %dma_start3A_730] : memref<800x64xf32, #tpu.memory_space<vmem>> -> memref<80x64xf32, #tpu.memory_space<vmem>>
        %dma_start3A_732 = arith.constant 160 : i32
        %dma_start3A_733 = tpu.memref_slice %arg7[%dma_start3A_732] : memref<800xi32, #tpu.memory_space<vmem>> -> memref<80xi32, #tpu.memory_space<vmem>>
        %dma_start3A_734 = arith.constant 0 : i32
        %dma_start3A_735 = arith.constant 0 : i32
        %dma_start3A_736 = tpu.memref_slice %arg3[%dma_start3A_734, %dma_start3A_735] : memref<100000x64xf32, #tpu.memory_space<hbm>> -> memref<100000x64xf32, #tpu.memory_space<hbm>>
        tpu.enqueue_indirect_dma source(%dma_start3A_736 : memref<100000x64xf32, #tpu.memory_space<hbm>>) target(%dma_start3A_731 : memref<80x64xf32, #tpu.memory_space<vmem>>) offsets(%dma_start3A_733 : memref<80xi32, #tpu.memory_space<vmem>>) semaphore(%arg11 : memref<!tpu.dma_semaphore, #tpu.memory_space<semaphore_mem>>)
        %dma_start3A_737 = arith.constant 240 : i32
        %dma_start3A_738 = arith.constant 0 : i32
        %dma_start3A_739 = tpu.memref_slice %arg9[%dma_start3A_737, %dma_start3A_738] : memref<800x64xf32, #tpu.memory_space<vmem>> -> memref<80x64xf32, #tpu.memory_space<vmem>>
        %dma_start3A_740 = arith.constant 240 : i32
        %dma_start3A_741 = tpu.memref_slice %arg7[%dma_start3A_740] : memref<800xi32, #tpu.memory_space<vmem>> -> memref<80xi32, #tpu.memory_space<vmem>>
        %dma_start3A_742 = arith.constant 0 : i32
        %dma_start3A_743 = arith.constant 0 : i32
        %dma_start3A_744 = tpu.memref_slice %arg3[%dma_start3A_742, %dma_start3A_743] : memref<100000x64xf32, #tpu.memory_space<hbm>> -> memref<100000x64xf32, #tpu.memory_space<hbm>>
        tpu.enqueue_indirect_dma source(%dma_start3A_744 : memref<100000x64xf32, #tpu.memory_space<hbm>>) target(%dma_start3A_739 : memref<80x64xf32, #tpu.memory_space<vmem>>) offsets(%dma_start3A_741 : memref<80xi32, #tpu.memory_space<vmem>>) semaphore(%arg11 : memref<!tpu.dma_semaphore, #tpu.memory_space<semaphore_mem>>)
        %dma_start3A_745 = arith.constant 320 : i32
        %dma_start3A_746 = arith.constant 0 : i32
        %dma_start3A_747 = tpu.memref_slice %arg9[%dma_start3A_745, %dma_start3A_746] : memref<800x64xf32, #tpu.memory_space<vmem>> -> memref<80x64xf32, #tpu.memory_space<vmem>>
        %dma_start3A_748 = arith.constant 320 : i32
        %dma_start3A_749 = tpu.memref_slice %arg7[%dma_start3A_748] : memref<800xi32, #tpu.memory_space<vmem>> -> memref<80xi32, #tpu.memory_space<vmem>>
        %dma_start3A_750 = arith.constant 0 : i32
        %dma_start3A_751 = arith.constant 0 : i32
        %dma_start3A_752 = tpu.memref_slice %arg3[%dma_start3A_750, %dma_start3A_751] : memref<100000x64xf32, #tpu.memory_space<hbm>> -> memref<100000x64xf32, #tpu.memory_space<hbm>>
        tpu.enqueue_indirect_dma source(%dma_start3A_752 : memref<100000x64xf32, #tpu.memory_space<hbm>>) target(%dma_start3A_747 : memref<80x64xf32, #tpu.memory_space<vmem>>) offsets(%dma_start3A_749 : memref<80xi32, #tpu.memory_space<vmem>>) semaphore(%arg11 : memref<!tpu.dma_semaphore, #tpu.memory_space<semaphore_mem>>)
        %dma_start3A_753 = arith.constant 400 : i32
        %dma_start3A_754 = arith.constant 0 : i32
        %dma_start3A_755 = tpu.memref_slice %arg9[%dma_start3A_753, %dma_start3A_754] : memref<800x64xf32, #tpu.memory_space<vmem>> -> memref<80x64xf32, #tpu.memory_space<vmem>>
        %dma_start3A_756 = arith.constant 400 : i32
        %dma_start3A_757 = tpu.memref_slice %arg7[%dma_start3A_756] : memref<800xi32, #tpu.memory_space<vmem>> -> memref<80xi32, #tpu.memory_space<vmem>>
        %dma_start3A_758 = arith.constant 0 : i32
        %dma_start3A_759 = arith.constant 0 : i32
        %dma_start3A_760 = tpu.memref_slice %arg3[%dma_start3A_758, %dma_start3A_759] : memref<100000x64xf32, #tpu.memory_space<hbm>> -> memref<100000x64xf32, #tpu.memory_space<hbm>>
        tpu.enqueue_indirect_dma source(%dma_start3A_760 : memref<100000x64xf32, #tpu.memory_space<hbm>>) target(%dma_start3A_755 : memref<80x64xf32, #tpu.memory_space<vmem>>) offsets(%dma_start3A_757 : memref<80xi32, #tpu.memory_space<vmem>>) semaphore(%arg11 : memref<!tpu.dma_semaphore, #tpu.memory_space<semaphore_mem>>)
        %dma_start3A_761 = arith.constant 480 : i32
        %dma_start3A_762 = arith.constant 0 : i32
        %dma_start3A_763 = tpu.memref_slice %arg9[%dma_start3A_761, %dma_start3A_762] : memref<800x64xf32, #tpu.memory_space<vmem>> -> memref<80x64xf32, #tpu.memory_space<vmem>>
        %dma_start3A_764 = arith.constant 480 : i32
        %dma_start3A_765 = tpu.memref_slice %arg7[%dma_start3A_764] : memref<800xi32, #tpu.memory_space<vmem>> -> memref<80xi32, #tpu.memory_space<vmem>>
        %dma_start3A_766 = arith.constant 0 : i32
        %dma_start3A_767 = arith.constant 0 : i32
        %dma_start3A_768 = tpu.memref_slice %arg3[%dma_start3A_766, %dma_start3A_767] : memref<100000x64xf32, #tpu.memory_space<hbm>> -> memref<100000x64xf32, #tpu.memory_space<hbm>>
        tpu.enqueue_indirect_dma source(%dma_start3A_768 : memref<100000x64xf32, #tpu.memory_space<hbm>>) target(%dma_start3A_763 : memref<80x64xf32, #tpu.memory_space<vmem>>) offsets(%dma_start3A_765 : memref<80xi32, #tpu.memory_space<vmem>>) semaphore(%arg11 : memref<!tpu.dma_semaphore, #tpu.memory_space<semaphore_mem>>)
        %dma_start3A_769 = arith.constant 560 : i32
        %dma_start3A_770 = arith.constant 0 : i32
        %dma_start3A_771 = tpu.memref_slice %arg9[%dma_start3A_769, %dma_start3A_770] : memref<800x64xf32, #tpu.memory_space<vmem>> -> memref<80x64xf32, #tpu.memory_space<vmem>>
        %dma_start3A_772 = arith.constant 560 : i32
        %dma_start3A_773 = tpu.memref_slice %arg7[%dma_start3A_772] : memref<800xi32, #tpu.memory_space<vmem>> -> memref<80xi32, #tpu.memory_space<vmem>>
        %dma_start3A_774 = arith.constant 0 : i32
        %dma_start3A_775 = arith.constant 0 : i32
        %dma_start3A_776 = tpu.memref_slice %arg3[%dma_start3A_774, %dma_start3A_775] : memref<100000x64xf32, #tpu.memory_space<hbm>> -> memref<100000x64xf32, #tpu.memory_space<hbm>>
        tpu.enqueue_indirect_dma source(%dma_start3A_776 : memref<100000x64xf32, #tpu.memory_space<hbm>>) target(%dma_start3A_771 : memref<80x64xf32, #tpu.memory_space<vmem>>) offsets(%dma_start3A_773 : memref<80xi32, #tpu.memory_space<vmem>>) semaphore(%arg11 : memref<!tpu.dma_semaphore, #tpu.memory_space<semaphore_mem>>)
        %dma_start3A_777 = arith.constant 640 : i32
        %dma_start3A_778 = arith.constant 0 : i32
        %dma_start3A_779 = tpu.memref_slice %arg9[%dma_start3A_777, %dma_start3A_778] : memref<800x64xf32, #tpu.memory_space<vmem>> -> memref<80x64xf32, #tpu.memory_space<vmem>>
        %dma_start3A_780 = arith.constant 640 : i32
        %dma_start3A_781 = tpu.memref_slice %arg7[%dma_start3A_780] : memref<800xi32, #tpu.memory_space<vmem>> -> memref<80xi32, #tpu.memory_space<vmem>>
        %dma_start3A_782 = arith.constant 0 : i32
        %dma_start3A_783 = arith.constant 0 : i32
        %dma_start3A_784 = tpu.memref_slice %arg3[%dma_start3A_782, %dma_start3A_783] : memref<100000x64xf32, #tpu.memory_space<hbm>> -> memref<100000x64xf32, #tpu.memory_space<hbm>>
        tpu.enqueue_indirect_dma source(%dma_start3A_784 : memref<100000x64xf32, #tpu.memory_space<hbm>>) target(%dma_start3A_779 : memref<80x64xf32, #tpu.memory_space<vmem>>) offsets(%dma_start3A_781 : memref<80xi32, #tpu.memory_space<vmem>>) semaphore(%arg11 : memref<!tpu.dma_semaphore, #tpu.memory_space<semaphore_mem>>)
        %dma_start3A_785 = arith.constant 720 : i32
        %dma_start3A_786 = arith.constant 0 : i32
        %dma_start3A_787 = tpu.memref_slice %arg9[%dma_start3A_785, %dma_start3A_786] : memref<800x64xf32, #tpu.memory_space<vmem>> -> memref<80x64xf32, #tpu.memory_space<vmem>>
        %dma_start3A_788 = arith.constant 720 : i32
        %dma_start3A_789 = tpu.memref_slice %arg7[%dma_start3A_788] : memref<800xi32, #tpu.memory_space<vmem>> -> memref<80xi32, #tpu.memory_space<vmem>>
        %dma_start3A_790 = arith.constant 0 : i32
        %dma_start3A_791 = arith.constant 0 : i32
        %dma_start3A_792 = tpu.memref_slice %arg3[%dma_start3A_790, %dma_start3A_791] : memref<100000x64xf32, #tpu.memory_space<hbm>> -> memref<100000x64xf32, #tpu.memory_space<hbm>>
        tpu.enqueue_indirect_dma source(%dma_start3A_792 : memref<100000x64xf32, #tpu.memory_space<hbm>>) target(%dma_start3A_787 : memref<80x64xf32, #tpu.memory_space<vmem>>) offsets(%dma_start3A_789 : memref<80xi32, #tpu.memory_space<vmem>>) semaphore(%arg11 : memref<!tpu.dma_semaphore, #tpu.memory_space<semaphore_mem>>)
      } else {
      }
      %dma_wait3A_471 = arith.constant 0 : i32
      %dma_wait3A_472 = arith.constant 0 : i32
      %dma_wait3A_473 = tpu.memref_slice %arg10[%dma_wait3A_471, %dma_wait3A_472] : memref<800x64xf32, #tpu.memory_space<vmem>> -> memref<80x64xf32, #tpu.memory_space<vmem>>
      %dma_wait3A_474 = arith.constant 0 : i32
      %dma_wait3A_475 = tpu.memref_slice %arg8[%dma_wait3A_474] : memref<800xi32, #tpu.memory_space<vmem>> -> memref<80xi32, #tpu.memory_space<vmem>>
      %dma_wait3A_476 = arith.constant 0 : i32
      %dma_wait3A_477 = arith.constant 0 : i32
      %dma_wait3A_478 = tpu.memref_slice %arg3[%dma_wait3A_476, %dma_wait3A_477] : memref<100000x64xf32, #tpu.memory_space<hbm>> -> memref<100000x64xf32, #tpu.memory_space<hbm>>
      tpu.wait_indirect_dma semaphore(%arg12 : memref<!tpu.dma_semaphore, #tpu.memory_space<semaphore_mem>>) src(%dma_wait3A_478 : memref<100000x64xf32, #tpu.memory_space<hbm>>) dst(%dma_wait3A_473 : memref<80x64xf32, #tpu.memory_space<vmem>>)
      %dma_wait3A_479 = arith.constant 80 : i32
      %dma_wait3A_480 = arith.constant 0 : i32
      %dma_wait3A_481 = tpu.memref_slice %arg10[%dma_wait3A_479, %dma_wait3A_480] : memref<800x64xf32, #tpu.memory_space<vmem>> -> memref<80x64xf32, #tpu.memory_space<vmem>>
      %dma_wait3A_482 = arith.constant 80 : i32
      %dma_wait3A_483 = tpu.memref_slice %arg8[%dma_wait3A_482] : memref<800xi32, #tpu.memory_space<vmem>> -> memref<80xi32, #tpu.memory_space<vmem>>
      %dma_wait3A_484 = arith.constant 0 : i32
      %dma_wait3A_485 = arith.constant 0 : i32
      %dma_wait3A_486 = tpu.memref_slice %arg3[%dma_wait3A_484, %dma_wait3A_485] : memref<100000x64xf32, #tpu.memory_space<hbm>> -> memref<100000x64xf32, #tpu.memory_space<hbm>>
      tpu.wait_indirect_dma semaphore(%arg12 : memref<!tpu.dma_semaphore, #tpu.memory_space<semaphore_mem>>) src(%dma_wait3A_486 : memref<100000x64xf32, #tpu.memory_space<hbm>>) dst(%dma_wait3A_481 : memref<80x64xf32, #tpu.memory_space<vmem>>)
      %dma_wait3A_487 = arith.constant 160 : i32
      %dma_wait3A_488 = arith.constant 0 : i32
      %dma_wait3A_489 = tpu.memref_slice %arg10[%dma_wait3A_487, %dma_wait3A_488] : memref<800x64xf32, #tpu.memory_space<vmem>> -> memref<80x64xf32, #tpu.memory_space<vmem>>
      %dma_wait3A_490 = arith.constant 160 : i32
      %dma_wait3A_491 = tpu.memref_slice %arg8[%dma_wait3A_490] : memref<800xi32, #tpu.memory_space<vmem>> -> memref<80xi32, #tpu.memory_space<vmem>>
      %dma_wait3A_492 = arith.constant 0 : i32
      %dma_wait3A_493 = arith.constant 0 : i32
      %dma_wait3A_494 = tpu.memref_slice %arg3[%dma_wait3A_492, %dma_wait3A_493] : memref<100000x64xf32, #tpu.memory_space<hbm>> -> memref<100000x64xf32, #tpu.memory_space<hbm>>
      tpu.wait_indirect_dma semaphore(%arg12 : memref<!tpu.dma_semaphore, #tpu.memory_space<semaphore_mem>>) src(%dma_wait3A_494 : memref<100000x64xf32, #tpu.memory_space<hbm>>) dst(%dma_wait3A_489 : memref<80x64xf32, #tpu.memory_space<vmem>>)
      %dma_wait3A_495 = arith.constant 240 : i32
      %dma_wait3A_496 = arith.constant 0 : i32
      %dma_wait3A_497 = tpu.memref_slice %arg10[%dma_wait3A_495, %dma_wait3A_496] : memref<800x64xf32, #tpu.memory_space<vmem>> -> memref<80x64xf32, #tpu.memory_space<vmem>>
      %dma_wait3A_498 = arith.constant 240 : i32
      %dma_wait3A_499 = tpu.memref_slice %arg8[%dma_wait3A_498] : memref<800xi32, #tpu.memory_space<vmem>> -> memref<80xi32, #tpu.memory_space<vmem>>
      %dma_wait3A_500 = arith.constant 0 : i32
      %dma_wait3A_501 = arith.constant 0 : i32
      %dma_wait3A_502 = tpu.memref_slice %arg3[%dma_wait3A_500, %dma_wait3A_501] : memref<100000x64xf32, #tpu.memory_space<hbm>> -> memref<100000x64xf32, #tpu.memory_space<hbm>>
      tpu.wait_indirect_dma semaphore(%arg12 : memref<!tpu.dma_semaphore, #tpu.memory_space<semaphore_mem>>) src(%dma_wait3A_502 : memref<100000x64xf32, #tpu.memory_space<hbm>>) dst(%dma_wait3A_497 : memref<80x64xf32, #tpu.memory_space<vmem>>)
      %dma_wait3A_503 = arith.constant 320 : i32
      %dma_wait3A_504 = arith.constant 0 : i32
      %dma_wait3A_505 = tpu.memref_slice %arg10[%dma_wait3A_503, %dma_wait3A_504] : memref<800x64xf32, #tpu.memory_space<vmem>> -> memref<80x64xf32, #tpu.memory_space<vmem>>
      %dma_wait3A_506 = arith.constant 320 : i32
      %dma_wait3A_507 = tpu.memref_slice %arg8[%dma_wait3A_506] : memref<800xi32, #tpu.memory_space<vmem>> -> memref<80xi32, #tpu.memory_space<vmem>>
      %dma_wait3A_508 = arith.constant 0 : i32
      %dma_wait3A_509 = arith.constant 0 : i32
      %dma_wait3A_510 = tpu.memref_slice %arg3[%dma_wait3A_508, %dma_wait3A_509] : memref<100000x64xf32, #tpu.memory_space<hbm>> -> memref<100000x64xf32, #tpu.memory_space<hbm>>
      tpu.wait_indirect_dma semaphore(%arg12 : memref<!tpu.dma_semaphore, #tpu.memory_space<semaphore_mem>>) src(%dma_wait3A_510 : memref<100000x64xf32, #tpu.memory_space<hbm>>) dst(%dma_wait3A_505 : memref<80x64xf32, #tpu.memory_space<vmem>>)
      %dma_wait3A_511 = arith.constant 400 : i32
      %dma_wait3A_512 = arith.constant 0 : i32
      %dma_wait3A_513 = tpu.memref_slice %arg10[%dma_wait3A_511, %dma_wait3A_512] : memref<800x64xf32, #tpu.memory_space<vmem>> -> memref<80x64xf32, #tpu.memory_space<vmem>>
      %dma_wait3A_514 = arith.constant 400 : i32
      %dma_wait3A_515 = tpu.memref_slice %arg8[%dma_wait3A_514] : memref<800xi32, #tpu.memory_space<vmem>> -> memref<80xi32, #tpu.memory_space<vmem>>
      %dma_wait3A_516 = arith.constant 0 : i32
      %dma_wait3A_517 = arith.constant 0 : i32
      %dma_wait3A_518 = tpu.memref_slice %arg3[%dma_wait3A_516, %dma_wait3A_517] : memref<100000x64xf32, #tpu.memory_space<hbm>> -> memref<100000x64xf32, #tpu.memory_space<hbm>>
      tpu.wait_indirect_dma semaphore(%arg12 : memref<!tpu.dma_semaphore, #tpu.memory_space<semaphore_mem>>) src(%dma_wait3A_518 : memref<100000x64xf32, #tpu.memory_space<hbm>>) dst(%dma_wait3A_513 : memref<80x64xf32, #tpu.memory_space<vmem>>)
      %dma_wait3A_519 = arith.constant 480 : i32
      %dma_wait3A_520 = arith.constant 0 : i32
      %dma_wait3A_521 = tpu.memref_slice %arg10[%dma_wait3A_519, %dma_wait3A_520] : memref<800x64xf32, #tpu.memory_space<vmem>> -> memref<80x64xf32, #tpu.memory_space<vmem>>
      %dma_wait3A_522 = arith.constant 480 : i32
      %dma_wait3A_523 = tpu.memref_slice %arg8[%dma_wait3A_522] : memref<800xi32, #tpu.memory_space<vmem>> -> memref<80xi32, #tpu.memory_space<vmem>>
      %dma_wait3A_524 = arith.constant 0 : i32
      %dma_wait3A_525 = arith.constant 0 : i32
      %dma_wait3A_526 = tpu.memref_slice %arg3[%dma_wait3A_524, %dma_wait3A_525] : memref<100000x64xf32, #tpu.memory_space<hbm>> -> memref<100000x64xf32, #tpu.memory_space<hbm>>
      tpu.wait_indirect_dma semaphore(%arg12 : memref<!tpu.dma_semaphore, #tpu.memory_space<semaphore_mem>>) src(%dma_wait3A_526 : memref<100000x64xf32, #tpu.memory_space<hbm>>) dst(%dma_wait3A_521 : memref<80x64xf32, #tpu.memory_space<vmem>>)
      %dma_wait3A_527 = arith.constant 560 : i32
      %dma_wait3A_528 = arith.constant 0 : i32
      %dma_wait3A_529 = tpu.memref_slice %arg10[%dma_wait3A_527, %dma_wait3A_528] : memref<800x64xf32, #tpu.memory_space<vmem>> -> memref<80x64xf32, #tpu.memory_space<vmem>>
      %dma_wait3A_530 = arith.constant 560 : i32
      %dma_wait3A_531 = tpu.memref_slice %arg8[%dma_wait3A_530] : memref<800xi32, #tpu.memory_space<vmem>> -> memref<80xi32, #tpu.memory_space<vmem>>
      %dma_wait3A_532 = arith.constant 0 : i32
      %dma_wait3A_533 = arith.constant 0 : i32
      %dma_wait3A_534 = tpu.memref_slice %arg3[%dma_wait3A_532, %dma_wait3A_533] : memref<100000x64xf32, #tpu.memory_space<hbm>> -> memref<100000x64xf32, #tpu.memory_space<hbm>>
      tpu.wait_indirect_dma semaphore(%arg12 : memref<!tpu.dma_semaphore, #tpu.memory_space<semaphore_mem>>) src(%dma_wait3A_534 : memref<100000x64xf32, #tpu.memory_space<hbm>>) dst(%dma_wait3A_529 : memref<80x64xf32, #tpu.memory_space<vmem>>)
      %dma_wait3A_535 = arith.constant 640 : i32
      %dma_wait3A_536 = arith.constant 0 : i32
      %dma_wait3A_537 = tpu.memref_slice %arg10[%dma_wait3A_535, %dma_wait3A_536] : memref<800x64xf32, #tpu.memory_space<vmem>> -> memref<80x64xf32, #tpu.memory_space<vmem>>
      %dma_wait3A_538 = arith.constant 640 : i32
      %dma_wait3A_539 = tpu.memref_slice %arg8[%dma_wait3A_538] : memref<800xi32, #tpu.memory_space<vmem>> -> memref<80xi32, #tpu.memory_space<vmem>>
      %dma_wait3A_540 = arith.constant 0 : i32
      %dma_wait3A_541 = arith.constant 0 : i32
      %dma_wait3A_542 = tpu.memref_slice %arg3[%dma_wait3A_540, %dma_wait3A_541] : memref<100000x64xf32, #tpu.memory_space<hbm>> -> memref<100000x64xf32, #tpu.memory_space<hbm>>
      tpu.wait_indirect_dma semaphore(%arg12 : memref<!tpu.dma_semaphore, #tpu.memory_space<semaphore_mem>>) src(%dma_wait3A_542 : memref<100000x64xf32, #tpu.memory_space<hbm>>) dst(%dma_wait3A_537 : memref<80x64xf32, #tpu.memory_space<vmem>>)
      %dma_wait3A_543 = arith.constant 720 : i32
      %dma_wait3A_544 = arith.constant 0 : i32
      %dma_wait3A_545 = tpu.memref_slice %arg10[%dma_wait3A_543, %dma_wait3A_544] : memref<800x64xf32, #tpu.memory_space<vmem>> -> memref<80x64xf32, #tpu.memory_space<vmem>>
      %dma_wait3A_546 = arith.constant 720 : i32
      %dma_wait3A_547 = tpu.memref_slice %arg8[%dma_wait3A_546] : memref<800xi32, #tpu.memory_space<vmem>> -> memref<80xi32, #tpu.memory_space<vmem>>
      %dma_wait3A_548 = arith.constant 0 : i32
      %dma_wait3A_549 = arith.constant 0 : i32
      %dma_wait3A_550 = tpu.memref_slice %arg3[%dma_wait3A_548, %dma_wait3A_549] : memref<100000x64xf32, #tpu.memory_space<hbm>> -> memref<100000x64xf32, #tpu.memory_space<hbm>>
      tpu.wait_indirect_dma semaphore(%arg12 : memref<!tpu.dma_semaphore, #tpu.memory_space<semaphore_mem>>) src(%dma_wait3A_550 : memref<100000x64xf32, #tpu.memory_space<hbm>>) dst(%dma_wait3A_545 : memref<80x64xf32, #tpu.memory_space<vmem>>)
      %scan3A_551 = arith.constant 0 : i32
      %scan3A_552 = arith.constant 0 : i32
      %scan3A_553 = arith.constant 200 : i32
      %scan3A_554 = arith.addi %scan3A_552, %scan3A_553 : i32
      %scan3A_555 = arith.constant 1 : i32
      scf.for %scan3A_648 = %scan3A_552 to %scan3A_554 step %scan3A_555  : i32 {
        %get3A = arith.index_cast %scan3A_648 : i32 to index
        %get3A_649 = arith.constant 0 : index
        %get3A_650 = tpu.vector_load %arg6[%get3A, %get3A_649] {strides = array<i32>} : memref<200x64xf32, #tpu.memory_space<vmem>>, vector<1x16xf32>,
        %get3A_651 = vector.shape_cast %get3A_650 : vector<1x16xf32> to vector<16xf32>
        %get3A_652 = arith.index_cast %scan3A_648 : i32 to index
        %get3A_653 = arith.constant 16 : index
        %get3A_654 = tpu.vector_load %arg6[%get3A_652, %get3A_653] {strides = array<i32>} : memref<200x64xf32, #tpu.memory_space<vmem>>, vector<1x16xf32>,
        %get3A_655 = vector.shape_cast %get3A_654 : vector<1x16xf32> to vector<16xf32>
        %get3A_656 = arith.index_cast %scan3A_648 : i32 to index
        %get3A_657 = arith.constant 32 : index
        %get3A_658 = tpu.vector_load %arg6[%get3A_656, %get3A_657] {strides = array<i32>} : memref<200x64xf32, #tpu.memory_space<vmem>>, vector<1x16xf32>,
        %get3A_659 = vector.shape_cast %get3A_658 : vector<1x16xf32> to vector<16xf32>
        %get3A_660 = arith.index_cast %scan3A_648 : i32 to index
        %get3A_661 = arith.constant 48 : index
        %get3A_662 = tpu.vector_load %arg6[%get3A_660, %get3A_661] {strides = array<i32>} : memref<200x64xf32, #tpu.memory_space<vmem>>, vector<1x16xf32>,
        %get3A_663 = vector.shape_cast %get3A_662 : vector<1x16xf32> to vector<16xf32>
        %add3A_664 = arith.constant 0 : i32
        %add3A_665 = arith.addi %add3A_664, %scan3A_648 : i32
        %get3A_666 = arith.index_cast %add3A_665 : i32 to index
        %get3A_667 = arith.constant 0 : index
        %get3A_668 = tpu.vector_load %arg10[%get3A_666, %get3A_667] {strides = array<i32>} : memref<800x64xf32, #tpu.memory_space<vmem>>, vector<1x16xf32>,
        %get3A_669 = vector.shape_cast %get3A_668 : vector<1x16xf32> to vector<16xf32>
        %add3A_670 = arith.addf %get3A_669, %get3A_651 : vector<16xf32>
        %swap3A = arith.index_cast %add3A_665 : i32 to index
        %swap3A_671 = arith.constant 0 : index
        %swap3A_672 = tpu.vector_load %arg10[%swap3A, %swap3A_671] {strides = array<i32>} : memref<800x64xf32, #tpu.memory_space<vmem>>, vector<1x16xf32>,
        %swap3A_673 = vector.shape_cast %swap3A_672 : vector<1x16xf32> to vector<16xf32>
        %swap3A_674 = vector.shape_cast %add3A_670 : vector<16xf32> to vector<1x16xf32>
        tpu.vector_store %arg10[%swap3A, %swap3A_671], %swap3A_674 {strides = array<i32>} : memref<800x64xf32, #tpu.memory_space<vmem>>, vector<1x16xf32>,
        %get3A_675 = arith.index_cast %add3A_665 : i32 to index
        %get3A_676 = arith.constant 16 : index
        %get3A_677 = tpu.vector_load %arg10[%get3A_675, %get3A_676] {strides = array<i32>} : memref<800x64xf32, #tpu.memory_space<vmem>>, vector<1x16xf32>,
        %get3A_678 = vector.shape_cast %get3A_677 : vector<1x16xf32> to vector<16xf32>
        %add3A_679 = arith.addf %get3A_678, %get3A_655 : vector<16xf32>
        %swap3A_680 = arith.index_cast %add3A_665 : i32 to index
        %swap3A_681 = arith.constant 16 : index
        %swap3A_682 = tpu.vector_load %arg10[%swap3A_680, %swap3A_681] {strides = array<i32>} : memref<800x64xf32, #tpu.memory_space<vmem>>, vector<1x16xf32>,
        %swap3A_683 = vector.shape_cast %swap3A_682 : vector<1x16xf32> to vector<16xf32>
        %swap3A_684 = vector.shape_cast %add3A_679 : vector<16xf32> to vector<1x16xf32>
        tpu.vector_store %arg10[%swap3A_680, %swap3A_681], %swap3A_684 {strides = array<i32>} : memref<800x64xf32, #tpu.memory_space<vmem>>, vector<1x16xf32>,
        %get3A_685 = arith.index_cast %add3A_665 : i32 to index
        %get3A_686 = arith.constant 32 : index
        %get3A_687 = tpu.vector_load %arg10[%get3A_685, %get3A_686] {strides = array<i32>} : memref<800x64xf32, #tpu.memory_space<vmem>>, vector<1x16xf32>,
        %get3A_688 = vector.shape_cast %get3A_687 : vector<1x16xf32> to vector<16xf32>
        %add3A_689 = arith.addf %get3A_688, %get3A_659 : vector<16xf32>
        %swap3A_690 = arith.index_cast %add3A_665 : i32 to index
        %swap3A_691 = arith.constant 32 : index
        %swap3A_692 = tpu.vector_load %arg10[%swap3A_690, %swap3A_691] {strides = array<i32>} : memref<800x64xf32, #tpu.memory_space<vmem>>, vector<1x16xf32>,
        %swap3A_693 = vector.shape_cast %swap3A_692 : vector<1x16xf32> to vector<16xf32>
        %swap3A_694 = vector.shape_cast %add3A_689 : vector<16xf32> to vector<1x16xf32>
        tpu.vector_store %arg10[%swap3A_690, %swap3A_691], %swap3A_694 {strides = array<i32>} : memref<800x64xf32, #tpu.memory_space<vmem>>, vector<1x16xf32>,
        %get3A_695 = arith.index_cast %add3A_665 : i32 to index
        %get3A_696 = arith.constant 48 : index
        %get3A_697 = tpu.vector_load %arg10[%get3A_695, %get3A_696] {strides = array<i32>} : memref<800x64xf32, #tpu.memory_space<vmem>>, vector<1x16xf32>,
        %get3A_698 = vector.shape_cast %get3A_697 : vector<1x16xf32> to vector<16xf32>
        %add3A_699 = arith.addf %get3A_698, %get3A_663 : vector<16xf32>
        %swap3A_700 = arith.index_cast %add3A_665 : i32 to index
        %swap3A_701 = arith.constant 48 : index
        %swap3A_702 = tpu.vector_load %arg10[%swap3A_700, %swap3A_701] {strides = array<i32>} : memref<800x64xf32, #tpu.memory_space<vmem>>, vector<1x16xf32>,
        %swap3A_703 = vector.shape_cast %swap3A_702 : vector<1x16xf32> to vector<16xf32>
        %swap3A_704 = vector.shape_cast %add3A_699 : vector<16xf32> to vector<1x16xf32>
        tpu.vector_store %arg10[%swap3A_700, %swap3A_701], %swap3A_704 {strides = array<i32>} : memref<800x64xf32, #tpu.memory_space<vmem>>, vector<1x16xf32>,
        %add3A_705 = arith.constant 200 : i32
        %add3A_706 = arith.addi %add3A_705, %scan3A_648 : i32
        %get3A_707 = arith.index_cast %add3A_706 : i32 to index
        %get3A_708 = arith.constant 0 : index
        %get3A_709 = tpu.vector_load %arg10[%get3A_707, %get3A_708] {strides = array<i32>} : memref<800x64xf32, #tpu.memory_space<vmem>>, vector<1x16xf32>,
        %get3A_710 = vector.shape_cast %get3A_709 : vector<1x16xf32> to vector<16xf32>
        %add3A_711 = arith.addf %get3A_710, %get3A_651 : vector<16xf32>
        %swap3A_712 = arith.index_cast %add3A_706 : i32 to index
        %swap3A_713 = arith.constant 0 : index
        %swap3A_714 = tpu.vector_load %arg10[%swap3A_712, %swap3A_713] {strides = array<i32>} : memref<800x64xf32, #tpu.memory_space<vmem>>, vector<1x16xf32>,
        %swap3A_715 = vector.shape_cast %swap3A_714 : vector<1x16xf32> to vector<16xf32>
        %swap3A_716 = vector.shape_cast %add3A_711 : vector<16xf32> to vector<1x16xf32>
        tpu.vector_store %arg10[%swap3A_712, %swap3A_713], %swap3A_716 {strides = array<i32>} : memref<800x64xf32, #tpu.memory_space<vmem>>, vector<1x16xf32>,
        %get3A_717 = arith.index_cast %add3A_706 : i32 to index
        %get3A_718 = arith.constant 16 : index
        %get3A_719 = tpu.vector_load %arg10[%get3A_717, %get3A_718] {strides = array<i32>} : memref<800x64xf32, #tpu.memory_space<vmem>>, vector<1x16xf32>,
        %get3A_720 = vector.shape_cast %get3A_719 : vector<1x16xf32> to vector<16xf32>
        %add3A_721 = arith.addf %get3A_720, %get3A_655 : vector<16xf32>
        %swap3A_722 = arith.index_cast %add3A_706 : i32 to index
        %swap3A_723 = arith.constant 16 : index
        %swap3A_724 = tpu.vector_load %arg10[%swap3A_722, %swap3A_723] {strides = array<i32>} : memref<800x64xf32, #tpu.memory_space<vmem>>, vector<1x16xf32>,
        %swap3A_725 = vector.shape_cast %swap3A_724 : vector<1x16xf32> to vector<16xf32>
        %swap3A_726 = vector.shape_cast %add3A_721 : vector<16xf32> to vector<1x16xf32>
        tpu.vector_store %arg10[%swap3A_722, %swap3A_723], %swap3A_726 {strides = array<i32>} : memref<800x64xf32, #tpu.memory_space<vmem>>, vector<1x16xf32>,
        %get3A_727 = arith.index_cast %add3A_706 : i32 to index
        %get3A_728 = arith.constant 32 : index
        %get3A_729 = tpu.vector_load %arg10[%get3A_727, %get3A_728] {strides = array<i32>} : memref<800x64xf32, #tpu.memory_space<vmem>>, vector<1x16xf32>,
        %get3A_730 = vector.shape_cast %get3A_729 : vector<1x16xf32> to vector<16xf32>
        %add3A_731 = arith.addf %get3A_730, %get3A_659 : vector<16xf32>
        %swap3A_732 = arith.index_cast %add3A_706 : i32 to index
        %swap3A_733 = arith.constant 32 : index
        %swap3A_734 = tpu.vector_load %arg10[%swap3A_732, %swap3A_733] {strides = array<i32>} : memref<800x64xf32, #tpu.memory_space<vmem>>, vector<1x16xf32>,
        %swap3A_735 = vector.shape_cast %swap3A_734 : vector<1x16xf32> to vector<16xf32>
        %swap3A_736 = vector.shape_cast %add3A_731 : vector<16xf32> to vector<1x16xf32>
        tpu.vector_store %arg10[%swap3A_732, %swap3A_733], %swap3A_736 {strides = array<i32>} : memref<800x64xf32, #tpu.memory_space<vmem>>, vector<1x16xf32>,
        %get3A_737 = arith.index_cast %add3A_706 : i32 to index
        %get3A_738 = arith.constant 48 : index
        %get3A_739 = tpu.vector_load %arg10[%get3A_737, %get3A_738] {strides = array<i32>} : memref<800x64xf32, #tpu.memory_space<vmem>>, vector<1x16xf32>,
        %get3A_740 = vector.shape_cast %get3A_739 : vector<1x16xf32> to vector<16xf32>
        %add3A_741 = arith.addf %get3A_740, %get3A_663 : vector<16xf32>
        %swap3A_742 = arith.index_cast %add3A_706 : i32 to index
        %swap3A_743 = arith.constant 48 : index
        %swap3A_744 = tpu.vector_load %arg10[%swap3A_742, %swap3A_743] {strides = array<i32>} : memref<800x64xf32, #tpu.memory_space<vmem>>, vector<1x16xf32>,
        %swap3A_745 = vector.shape_cast %swap3A_744 : vector<1x16xf32> to vector<16xf32>
        %swap3A_746 = vector.shape_cast %add3A_741 : vector<16xf32> to vector<1x16xf32>
        tpu.vector_store %arg10[%swap3A_742, %swap3A_743], %swap3A_746 {strides = array<i32>} : memref<800x64xf32, #tpu.memory_space<vmem>>, vector<1x16xf32>,
        %add3A_747 = arith.constant 400 : i32
        %add3A_748 = arith.addi %add3A_747, %scan3A_648 : i32
        %get3A_749 = arith.index_cast %add3A_748 : i32 to index
        %get3A_750 = arith.constant 0 : index
        %get3A_751 = tpu.vector_load %arg10[%get3A_749, %get3A_750] {strides = array<i32>} : memref<800x64xf32, #tpu.memory_space<vmem>>, vector<1x16xf32>,
        %get3A_752 = vector.shape_cast %get3A_751 : vector<1x16xf32> to vector<16xf32>
        %add3A_753 = arith.addf %get3A_752, %get3A_651 : vector<16xf32>
        %swap3A_754 = arith.index_cast %add3A_748 : i32 to index
        %swap3A_755 = arith.constant 0 : index
        %swap3A_756 = tpu.vector_load %arg10[%swap3A_754, %swap3A_755] {strides = array<i32>} : memref<800x64xf32, #tpu.memory_space<vmem>>, vector<1x16xf32>,
        %swap3A_757 = vector.shape_cast %swap3A_756 : vector<1x16xf32> to vector<16xf32>
        %swap3A_758 = vector.shape_cast %add3A_753 : vector<16xf32> to vector<1x16xf32>
        tpu.vector_store %arg10[%swap3A_754, %swap3A_755], %swap3A_758 {strides = array<i32>} : memref<800x64xf32, #tpu.memory_space<vmem>>, vector<1x16xf32>,
        %get3A_759 = arith.index_cast %add3A_748 : i32 to index
        %get3A_760 = arith.constant 16 : index
        %get3A_761 = tpu.vector_load %arg10[%get3A_759, %get3A_760] {strides = array<i32>} : memref<800x64xf32, #tpu.memory_space<vmem>>, vector<1x16xf32>,
        %get3A_762 = vector.shape_cast %get3A_761 : vector<1x16xf32> to vector<16xf32>
        %add3A_763 = arith.addf %get3A_762, %get3A_655 : vector<16xf32>
        %swap3A_764 = arith.index_cast %add3A_748 : i32 to index
        %swap3A_765 = arith.constant 16 : index
        %swap3A_766 = tpu.vector_load %arg10[%swap3A_764, %swap3A_765] {strides = array<i32>} : memref<800x64xf32, #tpu.memory_space<vmem>>, vector<1x16xf32>,
        %swap3A_767 = vector.shape_cast %swap3A_766 : vector<1x16xf32> to vector<16xf32>
        %swap3A_768 = vector.shape_cast %add3A_763 : vector<16xf32> to vector<1x16xf32>
        tpu.vector_store %arg10[%swap3A_764, %swap3A_765], %swap3A_768 {strides = array<i32>} : memref<800x64xf32, #tpu.memory_space<vmem>>, vector<1x16xf32>,
        %get3A_769 = arith.index_cast %add3A_748 : i32 to index
        %get3A_770 = arith.constant 32 : index
        %get3A_771 = tpu.vector_load %arg10[%get3A_769, %get3A_770] {strides = array<i32>} : memref<800x64xf32, #tpu.memory_space<vmem>>, vector<1x16xf32>,
        %get3A_772 = vector.shape_cast %get3A_771 : vector<1x16xf32> to vector<16xf32>
        %add3A_773 = arith.addf %get3A_772, %get3A_659 : vector<16xf32>
        %swap3A_774 = arith.index_cast %add3A_748 : i32 to index
        %swap3A_775 = arith.constant 32 : index
        %swap3A_776 = tpu.vector_load %arg10[%swap3A_774, %swap3A_775] {strides = array<i32>} : memref<800x64xf32, #tpu.memory_space<vmem>>, vector<1x16xf32>,
        %swap3A_777 = vector.shape_cast %swap3A_776 : vector<1x16xf32> to vector<16xf32>
        %swap3A_778 = vector.shape_cast %add3A_773 : vector<16xf32> to vector<1x16xf32>
        tpu.vector_store %arg10[%swap3A_774, %swap3A_775], %swap3A_778 {strides = array<i32>} : memref<800x64xf32, #tpu.memory_space<vmem>>, vector<1x16xf32>,
        %get3A_779 = arith.index_cast %add3A_748 : i32 to index
        %get3A_780 = arith.constant 48 : index
        %get3A_781 = tpu.vector_load %arg10[%get3A_779, %get3A_780] {strides = array<i32>} : memref<800x64xf32, #tpu.memory_space<vmem>>, vector<1x16xf32>,
        %get3A_782 = vector.shape_cast %get3A_781 : vector<1x16xf32> to vector<16xf32>
        %add3A_783 = arith.addf %get3A_782, %get3A_663 : vector<16xf32>
        %swap3A_784 = arith.index_cast %add3A_748 : i32 to index
        %swap3A_785 = arith.constant 48 : index
        %swap3A_786 = tpu.vector_load %arg10[%swap3A_784, %swap3A_785] {strides = array<i32>} : memref<800x64xf32, #tpu.memory_space<vmem>>, vector<1x16xf32>,
        %swap3A_787 = vector.shape_cast %swap3A_786 : vector<1x16xf32> to vector<16xf32>
        %swap3A_788 = vector.shape_cast %add3A_783 : vector<16xf32> to vector<1x16xf32>
        tpu.vector_store %arg10[%swap3A_784, %swap3A_785], %swap3A_788 {strides = array<i32>} : memref<800x64xf32, #tpu.memory_space<vmem>>, vector<1x16xf32>,
        %add3A_789 = arith.constant 600 : i32
        %add3A_790 = arith.addi %add3A_789, %scan3A_648 : i32
        %get3A_791 = arith.index_cast %add3A_790 : i32 to index
        %get3A_792 = arith.constant 0 : index
        %get3A_793 = tpu.vector_load %arg10[%get3A_791, %get3A_792] {strides = array<i32>} : memref<800x64xf32, #tpu.memory_space<vmem>>, vector<1x16xf32>,
        %get3A_794 = vector.shape_cast %get3A_793 : vector<1x16xf32> to vector<16xf32>
        %add3A_795 = arith.addf %get3A_794, %get3A_651 : vector<16xf32>
        %swap3A_796 = arith.index_cast %add3A_790 : i32 to index
        %swap3A_797 = arith.constant 0 : index
        %swap3A_798 = tpu.vector_load %arg10[%swap3A_796, %swap3A_797] {strides = array<i32>} : memref<800x64xf32, #tpu.memory_space<vmem>>, vector<1x16xf32>,
        %swap3A_799 = vector.shape_cast %swap3A_798 : vector<1x16xf32> to vector<16xf32>
        %swap3A_800 = vector.shape_cast %add3A_795 : vector<16xf32> to vector<1x16xf32>
        tpu.vector_store %arg10[%swap3A_796, %swap3A_797], %swap3A_800 {strides = array<i32>} : memref<800x64xf32, #tpu.memory_space<vmem>>, vector<1x16xf32>,
        %get3A_801 = arith.index_cast %add3A_790 : i32 to index
        %get3A_802 = arith.constant 16 : index
        %get3A_803 = tpu.vector_load %arg10[%get3A_801, %get3A_802] {strides = array<i32>} : memref<800x64xf32, #tpu.memory_space<vmem>>, vector<1x16xf32>,
        %get3A_804 = vector.shape_cast %get3A_803 : vector<1x16xf32> to vector<16xf32>
        %add3A_805 = arith.addf %get3A_804, %get3A_655 : vector<16xf32>
        %swap3A_806 = arith.index_cast %add3A_790 : i32 to index
        %swap3A_807 = arith.constant 16 : index
        %swap3A_808 = tpu.vector_load %arg10[%swap3A_806, %swap3A_807] {strides = array<i32>} : memref<800x64xf32, #tpu.memory_space<vmem>>, vector<1x16xf32>,
        %swap3A_809 = vector.shape_cast %swap3A_808 : vector<1x16xf32> to vector<16xf32>
        %swap3A_810 = vector.shape_cast %add3A_805 : vector<16xf32> to vector<1x16xf32>
        tpu.vector_store %arg10[%swap3A_806, %swap3A_807], %swap3A_810 {strides = array<i32>} : memref<800x64xf32, #tpu.memory_space<vmem>>, vector<1x16xf32>,
        %get3A_811 = arith.index_cast %add3A_790 : i32 to index
        %get3A_812 = arith.constant 32 : index
        %get3A_813 = tpu.vector_load %arg10[%get3A_811, %get3A_812] {strides = array<i32>} : memref<800x64xf32, #tpu.memory_space<vmem>>, vector<1x16xf32>,
        %get3A_814 = vector.shape_cast %get3A_813 : vector<1x16xf32> to vector<16xf32>
        %add3A_815 = arith.addf %get3A_814, %get3A_659 : vector<16xf32>
        %swap3A_816 = arith.index_cast %add3A_790 : i32 to index
        %swap3A_817 = arith.constant 32 : index
        %swap3A_818 = tpu.vector_load %arg10[%swap3A_816, %swap3A_817] {strides = array<i32>} : memref<800x64xf32, #tpu.memory_space<vmem>>, vector<1x16xf32>,
        %swap3A_819 = vector.shape_cast %swap3A_818 : vector<1x16xf32> to vector<16xf32>
        %swap3A_820 = vector.shape_cast %add3A_815 : vector<16xf32> to vector<1x16xf32>
        tpu.vector_store %arg10[%swap3A_816, %swap3A_817], %swap3A_820 {strides = array<i32>} : memref<800x64xf32, #tpu.memory_space<vmem>>, vector<1x16xf32>,
        %get3A_821 = arith.index_cast %add3A_790 : i32 to index
        %get3A_822 = arith.constant 48 : index
        %get3A_823 = tpu.vector_load %arg10[%get3A_821, %get3A_822] {strides = array<i32>} : memref<800x64xf32, #tpu.memory_space<vmem>>, vector<1x16xf32>,
        %get3A_824 = vector.shape_cast %get3A_823 : vector<1x16xf32> to vector<16xf32>
        %add3A_825 = arith.addf %get3A_824, %get3A_663 : vector<16xf32>
        %swap3A_826 = arith.index_cast %add3A_790 : i32 to index
        %swap3A_827 = arith.constant 48 : index
        %swap3A_828 = tpu.vector_load %arg10[%swap3A_826, %swap3A_827] {strides = array<i32>} : memref<800x64xf32, #tpu.memory_space<vmem>>, vector<1x16xf32>,
        %swap3A_829 = vector.shape_cast %swap3A_828 : vector<1x16xf32> to vector<16xf32>
        %swap3A_830 = vector.shape_cast %add3A_825 : vector<16xf32> to vector<1x16xf32>
        tpu.vector_store %arg10[%swap3A_826, %swap3A_827], %swap3A_830 {strides = array<i32>} : memref<800x64xf32, #tpu.memory_space<vmem>>, vector<1x16xf32>,
      }
      %scan3A_556 = arith.constant 200 : i32
      %mul3A_557 = arith.constant 800 : i32
      %mul3A_558 = arith.muli %add3A_212, %mul3A_557 : i32
      %add3A_559 = arith.addi %mul3A_2, %mul3A_558 : i32
      %jit3A_560 = arith.constant 200 : i32
      %div3A_561 = arith.divsi %add3A_559, %jit3A_560 : i32
      %sign3A_562 = arith.constant 0 : i32
      %sign3A_563 = arith.cmpi sgt, %add3A_559, %sign3A_562 : i32
      %sign3A_564 = arith.extui %sign3A_563 : i1 to i32
      %sign3A_565 = arith.constant 0 : i32
      %sign3A_566 = arith.cmpi slt, %add3A_559, %sign3A_565 : i32
      %sign3A_567 = arith.extui %sign3A_566 : i1 to i32
      %sign3A_568 = arith.subi %sign3A_564, %sign3A_567 : i32
      %sign3A_569 = arith.constant 0 : i32
      %sign3A_570 = arith.cmpi sgt, %jit3A_560, %sign3A_569 : i32
      %sign3A_571 = arith.extui %sign3A_570 : i1 to i32
      %sign3A_572 = arith.constant 0 : i32
      %sign3A_573 = arith.cmpi slt, %jit3A_560, %sign3A_572 : i32
      %sign3A_574 = arith.extui %sign3A_573 : i1 to i32
      %sign3A_575 = arith.subi %sign3A_571, %sign3A_574 : i32
      %ne3A_576 = arith.cmpi ne, %sign3A_568, %sign3A_575 : i32
      %rem3A_577 = arith.remsi %add3A_559, %jit3A_560 : i32
      %ne3A_578 = arith.constant 0 : i32
      %ne3A_579 = arith.cmpi ne, %rem3A_577, %ne3A_578 : i32
      %and3A_580 = arith.andi %ne3A_576, %ne3A_579 : i1
      %sub3A_581 = arith.constant 1 : i32
      %sub3A_582 = arith.subi %div3A_561, %sub3A_581 : i32
      %select_n3A_583 = arith.select %and3A_580, %sub3A_582, %div3A_561 : i32
      %add3A_584 = arith.constant 0 : i32
      %add3A_585 = arith.addi %select_n3A_583, %add3A_584 : i32
      %dma_start3A_586 = arith.constant 0 : i32
      %dma_start3A_587 = arith.constant 0 : i32
      %dma_start3A_588 = tpu.memref_slice %arg10[%dma_start3A_586, %dma_start3A_587] : memref<800x64xf32, #tpu.memory_space<vmem>> -> memref<200x64xf32, #tpu.memory_space<vmem>>
      %dma_start3A_589 = arith.constant 0 : i32
      %dma_start3A_590 = arith.constant 0 : i32
      %dma_start3A_591 = tpu.memref_slice %arg5[%add3A_585, %dma_start3A_589, %dma_start3A_590] : memref<4096x200x128xf32, #tpu.memory_space<hbm>> -> memref<1x200x64xf32, #tpu.memory_space<hbm>>
      %dma_start3A_592 = tpu.memref_squeeze %dma_start3A_591 : memref<1x200x64xf32, #tpu.memory_space<hbm>> -> memref<200x64xf32, #tpu.memory_space<hbm>>
      %dma_start3A_593 = arith.constant 0 : i32
      %dma_start3A_594 = arith.constant 0 : i32
      %dma_start3A_595 = tpu.memref_slice %arg5[%add3A_585, %dma_start3A_593, %dma_start3A_594] : memref<4096x200x128xf32, #tpu.memory_space<hbm>> -> memref<1x200x64xf32, #tpu.memory_space<hbm>>
      %dma_start3A_596 = tpu.memref_squeeze %dma_start3A_595 : memref<1x200x64xf32, #tpu.memory_space<hbm>> -> memref<200x64xf32, #tpu.memory_space<hbm>>
      %dma_start3A_597 = arith.constant 0 : i32
      %dma_start3A_598 = arith.constant 0 : i32
      %dma_start3A_599 = tpu.memref_slice %arg10[%dma_start3A_597, %dma_start3A_598] : memref<800x64xf32, #tpu.memory_space<vmem>> -> memref<200x64xf32, #tpu.memory_space<vmem>>
      tpu.enqueue_dma source(%dma_start3A_599 : memref<200x64xf32, #tpu.memory_space<vmem>>) target(%dma_start3A_596 : memref<200x64xf32, #tpu.memory_space<hbm>>) target_semaphore(%arg14 : memref<!tpu.dma_semaphore, #tpu.memory_space<semaphore_mem>>)
      %add3A_600 = arith.constant 1 : i32
      %add3A_601 = arith.addi %select_n3A_583, %add3A_600 : i32
      %dma_start3A_602 = arith.constant 200 : i32
      %dma_start3A_603 = arith.constant 0 : i32
      %dma_start3A_604 = tpu.memref_slice %arg10[%dma_start3A_602, %dma_start3A_603] : memref<800x64xf32, #tpu.memory_space<vmem>> -> memref<200x64xf32, #tpu.memory_space<vmem>>
      %dma_start3A_605 = arith.constant 0 : i32
      %dma_start3A_606 = arith.constant 0 : i32
      %dma_start3A_607 = tpu.memref_slice %arg5[%add3A_601, %dma_start3A_605, %dma_start3A_606] : memref<4096x200x128xf32, #tpu.memory_space<hbm>> -> memref<1x200x64xf32, #tpu.memory_space<hbm>>
      %dma_start3A_608 = tpu.memref_squeeze %dma_start3A_607 : memref<1x200x64xf32, #tpu.memory_space<hbm>> -> memref<200x64xf32, #tpu.memory_space<hbm>>
      %dma_start3A_609 = arith.constant 0 : i32
      %dma_start3A_610 = arith.constant 0 : i32
      %dma_start3A_611 = tpu.memref_slice %arg5[%add3A_601, %dma_start3A_609, %dma_start3A_610] : memref<4096x200x128xf32, #tpu.memory_space<hbm>> -> memref<1x200x64xf32, #tpu.memory_space<hbm>>
      %dma_start3A_612 = tpu.memref_squeeze %dma_start3A_611 : memref<1x200x64xf32, #tpu.memory_space<hbm>> -> memref<200x64xf32, #tpu.memory_space<hbm>>
      %dma_start3A_613 = arith.constant 200 : i32
      %dma_start3A_614 = arith.constant 0 : i32
      %dma_start3A_615 = tpu.memref_slice %arg10[%dma_start3A_613, %dma_start3A_614] : memref<800x64xf32, #tpu.memory_space<vmem>> -> memref<200x64xf32, #tpu.memory_space<vmem>>
      tpu.enqueue_dma source(%dma_start3A_615 : memref<200x64xf32, #tpu.memory_space<vmem>>) target(%dma_start3A_612 : memref<200x64xf32, #tpu.memory_space<hbm>>) target_semaphore(%arg14 : memref<!tpu.dma_semaphore, #tpu.memory_space<semaphore_mem>>)
      %add3A_616 = arith.constant 2 : i32
      %add3A_617 = arith.addi %select_n3A_583, %add3A_616 : i32
      %dma_start3A_618 = arith.constant 400 : i32
      %dma_start3A_619 = arith.constant 0 : i32
      %dma_start3A_620 = tpu.memref_slice %arg10[%dma_start3A_618, %dma_start3A_619] : memref<800x64xf32, #tpu.memory_space<vmem>> -> memref<200x64xf32, #tpu.memory_space<vmem>>
      %dma_start3A_621 = arith.constant 0 : i32
      %dma_start3A_622 = arith.constant 0 : i32
      %dma_start3A_623 = tpu.memref_slice %arg5[%add3A_617, %dma_start3A_621, %dma_start3A_622] : memref<4096x200x128xf32, #tpu.memory_space<hbm>> -> memref<1x200x64xf32, #tpu.memory_space<hbm>>
      %dma_start3A_624 = tpu.memref_squeeze %dma_start3A_623 : memref<1x200x64xf32, #tpu.memory_space<hbm>> -> memref<200x64xf32, #tpu.memory_space<hbm>>
      %dma_start3A_625 = arith.constant 0 : i32
      %dma_start3A_626 = arith.constant 0 : i32
      %dma_start3A_627 = tpu.memref_slice %arg5[%add3A_617, %dma_start3A_625, %dma_start3A_626] : memref<4096x200x128xf32, #tpu.memory_space<hbm>> -> memref<1x200x64xf32, #tpu.memory_space<hbm>>
      %dma_start3A_628 = tpu.memref_squeeze %dma_start3A_627 : memref<1x200x64xf32, #tpu.memory_space<hbm>> -> memref<200x64xf32, #tpu.memory_space<hbm>>
      %dma_start3A_629 = arith.constant 400 : i32
      %dma_start3A_630 = arith.constant 0 : i32
      %dma_start3A_631 = tpu.memref_slice %arg10[%dma_start3A_629, %dma_start3A_630] : memref<800x64xf32, #tpu.memory_space<vmem>> -> memref<200x64xf32, #tpu.memory_space<vmem>>
      tpu.enqueue_dma source(%dma_start3A_631 : memref<200x64xf32, #tpu.memory_space<vmem>>) target(%dma_start3A_628 : memref<200x64xf32, #tpu.memory_space<hbm>>) target_semaphore(%arg14 : memref<!tpu.dma_semaphore, #tpu.memory_space<semaphore_mem>>)
      %add3A_632 = arith.constant 3 : i32
      %add3A_633 = arith.addi %select_n3A_583, %add3A_632 : i32
      %dma_start3A_634 = arith.constant 600 : i32
      %dma_start3A_635 = arith.constant 0 : i32
      %dma_start3A_636 = tpu.memref_slice %arg10[%dma_start3A_634, %dma_start3A_635] : memref<800x64xf32, #tpu.memory_space<vmem>> -> memref<200x64xf32, #tpu.memory_space<vmem>>
      %dma_start3A_637 = arith.constant 0 : i32
      %dma_start3A_638 = arith.constant 0 : i32
      %dma_start3A_639 = tpu.memref_slice %arg5[%add3A_633, %dma_start3A_637, %dma_start3A_638] : memref<4096x200x128xf32, #tpu.memory_space<hbm>> -> memref<1x200x64xf32, #tpu.memory_space<hbm>>
      %dma_start3A_640 = tpu.memref_squeeze %dma_start3A_639 : memref<1x200x64xf32, #tpu.memory_space<hbm>> -> memref<200x64xf32, #tpu.memory_space<hbm>>
      %dma_start3A_641 = arith.constant 0 : i32
      %dma_start3A_642 = arith.constant 0 : i32
      %dma_start3A_643 = tpu.memref_slice %arg5[%add3A_633, %dma_start3A_641, %dma_start3A_642] : memref<4096x200x128xf32, #tpu.memory_space<hbm>> -> memref<1x200x64xf32, #tpu.memory_space<hbm>>
      %dma_start3A_644 = tpu.memref_squeeze %dma_start3A_643 : memref<1x200x64xf32, #tpu.memory_space<hbm>> -> memref<200x64xf32, #tpu.memory_space<hbm>>
      %dma_start3A_645 = arith.constant 600 : i32
      %dma_start3A_646 = arith.constant 0 : i32
      %dma_start3A_647 = tpu.memref_slice %arg10[%dma_start3A_645, %dma_start3A_646] : memref<800x64xf32, #tpu.memory_space<vmem>> -> memref<200x64xf32, #tpu.memory_space<vmem>>
      tpu.enqueue_dma source(%dma_start3A_647 : memref<200x64xf32, #tpu.memory_space<vmem>>) target(%dma_start3A_644 : memref<200x64xf32, #tpu.memory_space<hbm>>) target_semaphore(%arg14 : memref<!tpu.dma_semaphore, #tpu.memory_space<semaphore_mem>>)
    }
    %scan3A_88 = arith.constant 16 : i32
    %dma_wait3A = arith.constant 0 : i32
    %dma_wait3A_89 = arith.constant 0 : i32
    %dma_wait3A_90 = arith.constant 0 : i32
    %dma_wait3A_91 = tpu.memref_slice %arg9[%dma_wait3A_89, %dma_wait3A_90] : memref<800x64xf32, #tpu.memory_space<vmem>> -> memref<200x64xf32, #tpu.memory_space<vmem>>
    %dma_wait3A_92 = arith.constant 0 : i32
    %dma_wait3A_93 = arith.constant 0 : i32
    %dma_wait3A_94 = tpu.memref_slice %arg5[%dma_wait3A, %dma_wait3A_92, %dma_wait3A_93] : memref<4096x200x128xf32, #tpu.memory_space<hbm>> -> memref<1x200x64xf32, #tpu.memory_space<hbm>>
    %dma_wait3A_95 = tpu.memref_squeeze %dma_wait3A_94 : memref<1x200x64xf32, #tpu.memory_space<hbm>> -> memref<200x64xf32, #tpu.memory_space<hbm>>
    %dma_wait3A_96 = arith.constant 0 : i32
    %dma_wait3A_97 = arith.constant 0 : i32
    %dma_wait3A_98 = tpu.memref_slice %arg5[%dma_wait3A, %dma_wait3A_96, %dma_wait3A_97] : memref<4096x200x128xf32, #tpu.memory_space<hbm>> -> memref<1x200x64xf32, #tpu.memory_space<hbm>>
    %dma_wait3A_99 = tpu.memref_squeeze %dma_wait3A_98 : memref<1x200x64xf32, #tpu.memory_space<hbm>> -> memref<200x64xf32, #tpu.memory_space<hbm>>
    %dma_wait3A_100 = arith.constant 0 : i32
    %dma_wait3A_101 = arith.constant 0 : i32
    %dma_wait3A_102 = tpu.memref_slice %arg9[%dma_wait3A_100, %dma_wait3A_101] : memref<800x64xf32, #tpu.memory_space<vmem>> -> memref<200x64xf32, #tpu.memory_space<vmem>>
    tpu.wait_dma2 semaphore(%arg13 : memref<!tpu.dma_semaphore, #tpu.memory_space<semaphore_mem>>) src(%dma_wait3A_102 : memref<200x64xf32, #tpu.memory_space<vmem>>) dst(%dma_wait3A_99 : memref<200x64xf32, #tpu.memory_space<hbm>>)
    %dma_wait3A_103 = arith.constant 1 : i32
    %dma_wait3A_104 = arith.constant 200 : i32
    %dma_wait3A_105 = arith.constant 0 : i32
    %dma_wait3A_106 = tpu.memref_slice %arg9[%dma_wait3A_104, %dma_wait3A_105] : memref<800x64xf32, #tpu.memory_space<vmem>> -> memref<200x64xf32, #tpu.memory_space<vmem>>
    %dma_wait3A_107 = arith.constant 0 : i32
    %dma_wait3A_108 = arith.constant 0 : i32
    %dma_wait3A_109 = tpu.memref_slice %arg5[%dma_wait3A_103, %dma_wait3A_107, %dma_wait3A_108] : memref<4096x200x128xf32, #tpu.memory_space<hbm>> -> memref<1x200x64xf32, #tpu.memory_space<hbm>>
    %dma_wait3A_110 = tpu.memref_squeeze %dma_wait3A_109 : memref<1x200x64xf32, #tpu.memory_space<hbm>> -> memref<200x64xf32, #tpu.memory_space<hbm>>
    %dma_wait3A_111 = arith.constant 0 : i32
    %dma_wait3A_112 = arith.constant 0 : i32
    %dma_wait3A_113 = tpu.memref_slice %arg5[%dma_wait3A_103, %dma_wait3A_111, %dma_wait3A_112] : memref<4096x200x128xf32, #tpu.memory_space<hbm>> -> memref<1x200x64xf32, #tpu.memory_space<hbm>>
    %dma_wait3A_114 = tpu.memref_squeeze %dma_wait3A_113 : memref<1x200x64xf32, #tpu.memory_space<hbm>> -> memref<200x64xf32, #tpu.memory_space<hbm>>
    %dma_wait3A_115 = arith.constant 200 : i32
    %dma_wait3A_116 = arith.constant 0 : i32
    %dma_wait3A_117 = tpu.memref_slice %arg9[%dma_wait3A_115, %dma_wait3A_116] : memref<800x64xf32, #tpu.memory_space<vmem>> -> memref<200x64xf32, #tpu.memory_space<vmem>>
    tpu.wait_dma2 semaphore(%arg13 : memref<!tpu.dma_semaphore, #tpu.memory_space<semaphore_mem>>) src(%dma_wait3A_117 : memref<200x64xf32, #tpu.memory_space<vmem>>) dst(%dma_wait3A_114 : memref<200x64xf32, #tpu.memory_space<hbm>>)
    %dma_wait3A_118 = arith.constant 2 : i32
    %dma_wait3A_119 = arith.constant 400 : i32
    %dma_wait3A_120 = arith.constant 0 : i32
    %dma_wait3A_121 = tpu.memref_slice %arg9[%dma_wait3A_119, %dma_wait3A_120] : memref<800x64xf32, #tpu.memory_space<vmem>> -> memref<200x64xf32, #tpu.memory_space<vmem>>
    %dma_wait3A_122 = arith.constant 0 : i32
    %dma_wait3A_123 = arith.constant 0 : i32
    %dma_wait3A_124 = tpu.memref_slice %arg5[%dma_wait3A_118, %dma_wait3A_122, %dma_wait3A_123] : memref<4096x200x128xf32, #tpu.memory_space<hbm>> -> memref<1x200x64xf32, #tpu.memory_space<hbm>>
    %dma_wait3A_125 = tpu.memref_squeeze %dma_wait3A_124 : memref<1x200x64xf32, #tpu.memory_space<hbm>> -> memref<200x64xf32, #tpu.memory_space<hbm>>
    %dma_wait3A_126 = arith.constant 0 : i32
    %dma_wait3A_127 = arith.constant 0 : i32
    %dma_wait3A_128 = tpu.memref_slice %arg5[%dma_wait3A_118, %dma_wait3A_126, %dma_wait3A_127] : memref<4096x200x128xf32, #tpu.memory_space<hbm>> -> memref<1x200x64xf32, #tpu.memory_space<hbm>>
    %dma_wait3A_129 = tpu.memref_squeeze %dma_wait3A_128 : memref<1x200x64xf32, #tpu.memory_space<hbm>> -> memref<200x64xf32, #tpu.memory_space<hbm>>
    %dma_wait3A_130 = arith.constant 400 : i32
    %dma_wait3A_131 = arith.constant 0 : i32
    %dma_wait3A_132 = tpu.memref_slice %arg9[%dma_wait3A_130, %dma_wait3A_131] : memref<800x64xf32, #tpu.memory_space<vmem>> -> memref<200x64xf32, #tpu.memory_space<vmem>>
    tpu.wait_dma2 semaphore(%arg13 : memref<!tpu.dma_semaphore, #tpu.memory_space<semaphore_mem>>) src(%dma_wait3A_132 : memref<200x64xf32, #tpu.memory_space<vmem>>) dst(%dma_wait3A_129 : memref<200x64xf32, #tpu.memory_space<hbm>>)
    %dma_wait3A_133 = arith.constant 3 : i32
    %dma_wait3A_134 = arith.constant 600 : i32
    %dma_wait3A_135 = arith.constant 0 : i32
    %dma_wait3A_136 = tpu.memref_slice %arg9[%dma_wait3A_134, %dma_wait3A_135] : memref<800x64xf32, #tpu.memory_space<vmem>> -> memref<200x64xf32, #tpu.memory_space<vmem>>
    %dma_wait3A_137 = arith.constant 0 : i32
    %dma_wait3A_138 = arith.constant 0 : i32
    %dma_wait3A_139 = tpu.memref_slice %arg5[%dma_wait3A_133, %dma_wait3A_137, %dma_wait3A_138] : memref<4096x200x128xf32, #tpu.memory_space<hbm>> -> memref<1x200x64xf32, #tpu.memory_space<hbm>>
    %dma_wait3A_140 = tpu.memref_squeeze %dma_wait3A_139 : memref<1x200x64xf32, #tpu.memory_space<hbm>> -> memref<200x64xf32, #tpu.memory_space<hbm>>
    %dma_wait3A_141 = arith.constant 0 : i32
    %dma_wait3A_142 = arith.constant 0 : i32
    %dma_wait3A_143 = tpu.memref_slice %arg5[%dma_wait3A_133, %dma_wait3A_141, %dma_wait3A_142] : memref<4096x200x128xf32, #tpu.memory_space<hbm>> -> memref<1x200x64xf32, #tpu.memory_space<hbm>>
    %dma_wait3A_144 = tpu.memref_squeeze %dma_wait3A_143 : memref<1x200x64xf32, #tpu.memory_space<hbm>> -> memref<200x64xf32, #tpu.memory_space<hbm>>
    %dma_wait3A_145 = arith.constant 600 : i32
    %dma_wait3A_146 = arith.constant 0 : i32
    %dma_wait3A_147 = tpu.memref_slice %arg9[%dma_wait3A_145, %dma_wait3A_146] : memref<800x64xf32, #tpu.memory_space<vmem>> -> memref<200x64xf32, #tpu.memory_space<vmem>>
    tpu.wait_dma2 semaphore(%arg13 : memref<!tpu.dma_semaphore, #tpu.memory_space<semaphore_mem>>) src(%dma_wait3A_147 : memref<200x64xf32, #tpu.memory_space<vmem>>) dst(%dma_wait3A_144 : memref<200x64xf32, #tpu.memory_space<hbm>>)
    %dma_wait3A_148 = arith.constant 0 : i32
    %dma_wait3A_149 = arith.constant 0 : i32
    %dma_wait3A_150 = arith.constant 0 : i32
    %dma_wait3A_151 = tpu.memref_slice %arg10[%dma_wait3A_149, %dma_wait3A_150] : memref<800x64xf32, #tpu.memory_space<vmem>> -> memref<200x64xf32, #tpu.memory_space<vmem>>
    %dma_wait3A_152 = arith.constant 0 : i32
    %dma_wait3A_153 = arith.constant 0 : i32
    %dma_wait3A_154 = tpu.memref_slice %arg5[%dma_wait3A_148, %dma_wait3A_152, %dma_wait3A_153] : memref<4096x200x128xf32, #tpu.memory_space<hbm>> -> memref<1x200x64xf32, #tpu.memory_space<hbm>>
    %dma_wait3A_155 = tpu.memref_squeeze %dma_wait3A_154 : memref<1x200x64xf32, #tpu.memory_space<hbm>> -> memref<200x64xf32, #tpu.memory_space<hbm>>
    %dma_wait3A_156 = arith.constant 0 : i32
    %dma_wait3A_157 = arith.constant 0 : i32
    %dma_wait3A_158 = tpu.memref_slice %arg5[%dma_wait3A_148, %dma_wait3A_156, %dma_wait3A_157] : memref<4096x200x128xf32, #tpu.memory_space<hbm>> -> memref<1x200x64xf32, #tpu.memory_space<hbm>>
    %dma_wait3A_159 = tpu.memref_squeeze %dma_wait3A_158 : memref<1x200x64xf32, #tpu.memory_space<hbm>> -> memref<200x64xf32, #tpu.memory_space<hbm>>
    %dma_wait3A_160 = arith.constant 0 : i32
    %dma_wait3A_161 = arith.constant 0 : i32
    %dma_wait3A_162 = tpu.memref_slice %arg10[%dma_wait3A_160, %dma_wait3A_161] : memref<800x64xf32, #tpu.memory_space<vmem>> -> memref<200x64xf32, #tpu.memory_space<vmem>>
    tpu.wait_dma2 semaphore(%arg14 : memref<!tpu.dma_semaphore, #tpu.memory_space<semaphore_mem>>) src(%dma_wait3A_162 : memref<200x64xf32, #tpu.memory_space<vmem>>) dst(%dma_wait3A_159 : memref<200x64xf32, #tpu.memory_space<hbm>>)
    %dma_wait3A_163 = arith.constant 1 : i32
    %dma_wait3A_164 = arith.constant 200 : i32
    %dma_wait3A_165 = arith.constant 0 : i32
    %dma_wait3A_166 = tpu.memref_slice %arg10[%dma_wait3A_164, %dma_wait3A_165] : memref<800x64xf32, #tpu.memory_space<vmem>> -> memref<200x64xf32, #tpu.memory_space<vmem>>
    %dma_wait3A_167 = arith.constant 0 : i32
    %dma_wait3A_168 = arith.constant 0 : i32
    %dma_wait3A_169 = tpu.memref_slice %arg5[%dma_wait3A_163, %dma_wait3A_167, %dma_wait3A_168] : memref<4096x200x128xf32, #tpu.memory_space<hbm>> -> memref<1x200x64xf32, #tpu.memory_space<hbm>>
    %dma_wait3A_170 = tpu.memref_squeeze %dma_wait3A_169 : memref<1x200x64xf32, #tpu.memory_space<hbm>> -> memref<200x64xf32, #tpu.memory_space<hbm>>
    %dma_wait3A_171 = arith.constant 0 : i32
    %dma_wait3A_172 = arith.constant 0 : i32
    %dma_wait3A_173 = tpu.memref_slice %arg5[%dma_wait3A_163, %dma_wait3A_171, %dma_wait3A_172] : memref<4096x200x128xf32, #tpu.memory_space<hbm>> -> memref<1x200x64xf32, #tpu.memory_space<hbm>>
    %dma_wait3A_174 = tpu.memref_squeeze %dma_wait3A_173 : memref<1x200x64xf32, #tpu.memory_space<hbm>> -> memref<200x64xf32, #tpu.memory_space<hbm>>
    %dma_wait3A_175 = arith.constant 200 : i32
    %dma_wait3A_176 = arith.constant 0 : i32
    %dma_wait3A_177 = tpu.memref_slice %arg10[%dma_wait3A_175, %dma_wait3A_176] : memref<800x64xf32, #tpu.memory_space<vmem>> -> memref<200x64xf32, #tpu.memory_space<vmem>>
    tpu.wait_dma2 semaphore(%arg14 : memref<!tpu.dma_semaphore, #tpu.memory_space<semaphore_mem>>) src(%dma_wait3A_177 : memref<200x64xf32, #tpu.memory_space<vmem>>) dst(%dma_wait3A_174 : memref<200x64xf32, #tpu.memory_space<hbm>>)
    %dma_wait3A_178 = arith.constant 2 : i32
    %dma_wait3A_179 = arith.constant 400 : i32
    %dma_wait3A_180 = arith.constant 0 : i32
    %dma_wait3A_181 = tpu.memref_slice %arg10[%dma_wait3A_179, %dma_wait3A_180] : memref<800x64xf32, #tpu.memory_space<vmem>> -> memref<200x64xf32, #tpu.memory_space<vmem>>
    %dma_wait3A_182 = arith.constant 0 : i32
    %dma_wait3A_183 = arith.constant 0 : i32
    %dma_wait3A_184 = tpu.memref_slice %arg5[%dma_wait3A_178, %dma_wait3A_182, %dma_wait3A_183] : memref<4096x200x128xf32, #tpu.memory_space<hbm>> -> memref<1x200x64xf32, #tpu.memory_space<hbm>>
    %dma_wait3A_185 = tpu.memref_squeeze %dma_wait3A_184 : memref<1x200x64xf32, #tpu.memory_space<hbm>> -> memref<200x64xf32, #tpu.memory_space<hbm>>
    %dma_wait3A_186 = arith.constant 0 : i32
    %dma_wait3A_187 = arith.constant 0 : i32
    %dma_wait3A_188 = tpu.memref_slice %arg5[%dma_wait3A_178, %dma_wait3A_186, %dma_wait3A_187] : memref<4096x200x128xf32, #tpu.memory_space<hbm>> -> memref<1x200x64xf32, #tpu.memory_space<hbm>>
    %dma_wait3A_189 = tpu.memref_squeeze %dma_wait3A_188 : memref<1x200x64xf32, #tpu.memory_space<hbm>> -> memref<200x64xf32, #tpu.memory_space<hbm>>
    %dma_wait3A_190 = arith.constant 400 : i32
    %dma_wait3A_191 = arith.constant 0 : i32
    %dma_wait3A_192 = tpu.memref_slice %arg10[%dma_wait3A_190, %dma_wait3A_191] : memref<800x64xf32, #tpu.memory_space<vmem>> -> memref<200x64xf32, #tpu.memory_space<vmem>>
    tpu.wait_dma2 semaphore(%arg14 : memref<!tpu.dma_semaphore, #tpu.memory_space<semaphore_mem>>) src(%dma_wait3A_192 : memref<200x64xf32, #tpu.memory_space<vmem>>) dst(%dma_wait3A_189 : memref<200x64xf32, #tpu.memory_space<hbm>>)
    %dma_wait3A_193 = arith.constant 3 : i32
    %dma_wait3A_194 = arith.constant 600 : i32
    %dma_wait3A_195 = arith.constant 0 : i32
    %dma_wait3A_196 = tpu.memref_slice %arg10[%dma_wait3A_194, %dma_wait3A_195] : memref<800x64xf32, #tpu.memory_space<vmem>> -> memref<200x64xf32, #tpu.memory_space<vmem>>
    %dma_wait3A_197 = arith.constant 0 : i32
    %dma_wait3A_198 = arith.constant 0 : i32
    %dma_wait3A_199 = tpu.memref_slice %arg5[%dma_wait3A_193, %dma_wait3A_197, %dma_wait3A_198] : memref<4096x200x128xf32, #tpu.memory_space<hbm>> -> memref<1x200x64xf32, #tpu.memory_space<hbm>>
    %dma_wait3A_200 = tpu.memref_squeeze %dma_wait3A_199 : memref<1x200x64xf32, #tpu.memory_space<hbm>> -> memref<200x64xf32, #tpu.memory_space<hbm>>
    %dma_wait3A_201 = arith.constant 0 : i32
    %dma_wait3A_202 = arith.constant 0 : i32
    %dma_wait3A_203 = tpu.memref_slice %arg5[%dma_wait3A_193, %dma_wait3A_201, %dma_wait3A_202] : memref<4096x200x128xf32, #tpu.memory_space<hbm>> -> memref<1x200x64xf32, #tpu.memory_space<hbm>>
    %dma_wait3A_204 = tpu.memref_squeeze %dma_wait3A_203 : memref<1x200x64xf32, #tpu.memory_space<hbm>> -> memref<200x64xf32, #tpu.memory_space<hbm>>
    %dma_wait3A_205 = arith.constant 600 : i32
    %dma_wait3A_206 = arith.constant 0 : i32
    %dma_wait3A_207 = tpu.memref_slice %arg10[%dma_wait3A_205, %dma_wait3A_206] : memref<800x64xf32, #tpu.memory_space<vmem>> -> memref<200x64xf32, #tpu.memory_space<vmem>>
    tpu.wait_dma2 semaphore(%arg14 : memref<!tpu.dma_semaphore, #tpu.memory_space<semaphore_mem>>) src(%dma_wait3A_207 : memref<200x64xf32, #tpu.memory_space<vmem>>) dst(%dma_wait3A_204 : memref<200x64xf32, #tpu.memory_space<hbm>>)
    return
  }
}

</mosaic_0001>

<sc_bundles>
// kernel: kernel.3.cloned.1.call-start
scs
__scs_entry_jumppad:
0x0: {  	(pc) =	sbr.rel $0x88, $3  }
0x1: {  	(tag) =	ssettag $0x0;
	lr =	simm.s32 $0x1  }
0x2: {  	[smem:$0x3F9E] =	sst lr;
	_ =	strace $0xD0000000  }
0x3: {  	_ = 	snop  }
0x4: {  	_ = 	snop  }
0x5: {  	_ = 	snop  }
0x6: {  	_ = 	snop  }
0x7: {  	_ = 	snop  }
__scs_overlays_trampoline_lowered:
0x8: {  	[smem:$0x3FAD] =	sst s0  }
0x9: {  	[smem:$0x3FAE] =	sst s1  }
0xa: {  	[smem:$0x3FAF] =	sst s2  }
0xb: {  	[smem:$0x3FB0] =	sst s3  }
0xc: {  	[smem:$0x3FB1] =	sst s4  }
0xd: {  	[smem:$0x3FB2] =	sst s5  }
0xe: {  	[smem:$0x3FB3] =	sst s6  }
0xf: {  	[smem:$0x3FB4] =	sst s7  }
0x10: {  	[smem:$0x3FB5] =	sst s8  }
0x11: {  	[smem:$0x3FB6] =	sst s9;
	s0 =	simm.s32 @!p0 $0x0  }
0x12: {  	s1 =	sld [smem:$0x3F9C];
	s0 =	simm.s32 @p0 $0x1  }
0x13: {  	[smem:$0x3FB7] =	sst s0;
	s0 =	simm.s32 @!p1 $0x0  }
0x14: {  	s2 =	sld [smem:$0x3F9B];
	s0 =	simm.s32 @p1 $0x1  }
0x15: {  	[smem:$0x3FB8] =	sst s0;
	s0 =	simm.s32 @!p2 $0x0  }
0x16: {  	s3 =	sld [smem:$0x3FDB];
	s0 =	simm.s32 @p2 $0x1  }
0x17: {  	s4 =	simm.s32 $0x1BF5;
	[smem:$0x3FBA] =	sst s0  }
0x18: {  	s0 =	sld [smem:$0x3F9D];
	_ =	swait.ge [sflag:s4], $0x0  }
0x19: {  	s7 =	sld [smem:$0x3F9E]  }
0x1a: {  	s8 =	sadd.s32 $0xFFFFE003, lr  }
0x1b: {  	s9 =	sadd.s32 $0xFFFFFEF7, lr;
	s5 =	simm.s32 $0xFFFFFFFF;
	p2 =	slt.u32 s8, $0xFFFFF086  }
0x1c: {  	p1 =	slt.u32 s9, $0xF7A;
	s5 =	simm.s32 @!p2 $0x0  }
0x1d: {  	s5 =	simm.s32 @p1 $0x1;
	p0 =	seq.s32 s7, s2  }
0x1e: {  	s7 =	smul.u32 @!p0 $0xF7A, s2;
	p2 =	seq.s32 @!p0 s5, $0x0  }
0x1f: {  	s9 =	smul.u32 $0xF7A, s1;
	s8 =	simm.s32 @!p0 $0x1BF5;
	p2 =	por !p2, p0  }
0x20: {  	[sflag:s8] =	ssyncset.s32 @!p0 $0xFFFFF086;
	s6 =	sadd.s32 @!p0 s3, s7;
	s7 =	simm.s32 @!p0 $0x108  }
0x21: {  	s3 =	sadd.s32 s3, s9;
	s6 =	sadd.s32 @!p0 $0x88, s6;
	s7 =	simm.s32 @p2 $0x1082  }
0x22: {  	[simem:s7], [sflag:s8] =	dma.local @!p0 [hbm:s6], $0xF7A  }
0x23: {  	s9 =	sor.u32 $0xD0000000, s2;
	s6 =	simm.s32 $0x108;
	_ =	swait.ge @!p0 [sflag:s8], $0x0  }
0x24: {  	s3 =	sadd.s32 $0x88, s3;
	s6 =	simm.s32 @!p1 $0x1082;
	[sflag:s4] =	ssyncset.s32 $0xFFFFF086  }
0x25: {  	[simem:s6], [sflag:s4] =	dma.local [hbm:s3], $0xF7A  }
0x26: {  	[smem:$0x3F9E] =	sst s1;
	(tag) =	ssettag s2;
	_ =	strace s9  }
0x27: {  	s1 =	sld [smem:$0x3FAE]  }
0x28: {  	s2 =	sld [smem:$0x3FAF]  }
0x29: {  	s4 =	sld [smem:$0x3FB1]  }
0x2a: {  	p0 =	seq.s32 s5, $0x0;
	s5 =	sld [smem:$0x3FB2]  }
0x2b: {  	s6 =	sld [smem:$0x3FB3]  }
0x2c: {  	s7 =	sld [smem:$0x3FB4]  }
0x2d: {  	s3 =	simm.s32 $0x108;
	s8 =	sld [smem:$0x3FB5]  }
0x2e: {  	s3 =	simm.s32 @!p0 $0x1082;
	s9 =	sld [smem:$0x3FB6]  }
0x2f: {  	lr =	sadd.s32 s0, s3;
	s0 =	sld [smem:$0x3FAD]  }
0x30: {  	s3 =	sld [smem:$0x3FB0]  }
0x31: {  	[smem:$0x3FB9] =	sst s10  }
0x32: {  	s10 =	sld [smem:$0x3FB7];
	_ =	sdelay $0x3  }
0x33: {  	p0 =	seq.s32 s10, $0x1;
	s10 =	sld [smem:$0x3FB9];
	_ =	sdelay $0x3  }
0x34: {  	[smem:$0x3FB9] =	sst s10  }
0x35: {  	s10 =	sld [smem:$0x3FB8];
	_ =	sdelay $0x3  }
0x36: {  	p1 =	seq.s32 s10, $0x1;
	s10 =	sld [smem:$0x3FB9];
	_ =	sdelay $0x3  }
0x37: {  	[smem:$0x3FB9] =	sst s10  }
0x38: {  	s10 =	sld [smem:$0x3FBA]  }
0x39: {  	_ = 	snop;
	(pc) =	sbr.ind lr, $3  }
0x3a: {  	_ = 	snop  }
0x3b: {  	_ = 	snop  }
0x3c: {  	p2 =	seq.s32 s10, $0x1;
	s10 =	sld [smem:$0x3FB9]  }
0x3d: {  	_ =	shalt  }
0x3e: {  	_ =	shalt  }
0x3f: {  	_ =	shalt  }
0x40: {  	_ =	shalt  }
0x41: {  	_ =	shalt  }
0x42: {  	_ =	shalt  }
0x43: {  	_ =	shalt  }
0x44: {  	_ =	shalt  }
0x45: {  	_ =	shalt  }
0x46: {  	_ =	shalt  }
0x47: {  	_ =	shalt  }
0x48: {  	_ =	shalt  }
0x49: {  	_ =	shalt  }
0x4a: {  	_ =	shalt  }
0x4b: {  	_ =	shalt  }
0x4c: {  	_ =	shalt  }
0x4d: {  	_ =	shalt  }
0x4e: {  	_ =	shalt  }
0x4f: {  	_ =	shalt  }
0x50: {  	_ =	shalt  }
0x51: {  	_ =	shalt  }
0x52: {  	_ =	shalt  }
0x53: {  	_ =	shalt  }
0x54: {  	_ =	shalt  }
0x55: {  	_ =	shalt  }
0x56: {  	_ =	shalt  }
0x57: {  	_ =	shalt  }
0x58: {  	_ =	shalt  }
0x59: {  	_ =	shalt  }
0x5a: {  	_ =	shalt  }
0x5b: {  	_ =	shalt  }
0x5c: {  	_ =	shalt  }
0x5d: {  	_ =	shalt  }
0x5e: {  	_ =	shalt  }
0x5f: {  	_ =	shalt  }
0x60: {  	_ =	shalt  }
0x61: {  	_ =	shalt  }
0x62: {  	_ =	shalt  }
0x63: {  	_ =	shalt  }
0x64: {  	_ =	shalt  }
0x65: {  	_ =	shalt  }
0x66: {  	_ =	shalt  }
0x67: {  	_ =	shalt  }
0x68: {  	_ =	shalt  }
0x69: {  	_ =	shalt  }
0x6a: {  	_ =	shalt  }
0x6b: {  	_ =	shalt  }
0x6c: {  	_ =	shalt  }
0x6d: {  	_ =	shalt  }
0x6e: {  	_ =	shalt  }
0x6f: {  	_ =	shalt  }
0x70: {  	_ =	shalt  }
0x71: {  	_ =	shalt  }
0x72: {  	_ =	shalt  }
0x73: {  	_ =	shalt  }
0x74: {  	_ =	shalt  }
0x75: {  	_ =	shalt  }
0x76: {  	_ =	shalt  }
0x77: {  	_ =	shalt  }
0x78: {  	_ =	shalt  }
0x79: {  	_ =	shalt  }
0x7a: {  	_ =	shalt  }
0x7b: {  	_ =	shalt  }
0x7c: {  	_ =	shalt  }
0x7d: {  	_ =	shalt  }
0x7e: {  	_ =	shalt  }
0x7f: {  	_ =	shalt  }
0x80: {  	_ =	shalt  }
0x81: {  	_ =	shalt  }
0x82: {  	_ =	shalt  }
0x83: {  	_ =	shalt  }
0x84: {  	_ =	shalt  }
0x85: {  	_ =	shalt  }
0x86: {  	_ =	shalt  }
0x87: {  	_ =	shalt  }
.Lfunc_end0:
.L_simem_size_0:
called_computation.1_lowered:
.L_overlay_start_0:
0x88: {  	s2 =	sld [smem:$0x3FD9]  }
0x89: {  	s3 =	sld [smem:$0x3FFE];
	_ =	sdelay $0x1  }
0x8a: {  	s1 =	srdreg.scid  }
0x8b: {  	s0 =	sand.u32 $0x1, s1  }
0x8c: {  	s16 =	sshll.u32 s0, $0xA;
	s2 =	sadd.s32 s3, s2  }
0x8d: {  	s2 =	sadd.s32 s2, s16  }
0x8e: {  	[smem:$0x3FC5] =	sst s2  }
0x8f: {  	_ = 	snop  }
0x90: {  	(tm) =	ssettm $0x1  }
0x91: {  	s17 =	sld [smem:$0x3FFB];
	_ =	sdelay $0x3  }
0x92: {  	_ =	strace s17  }
0x93: {  	s2 =	sld [smem:$0x3FFC];
	_ =	sdelay $0x3  }
0x94: {  	_ =	strace s2  }
0x95: {  	s2 =	sld [smem:$0x3FFD];
	_ =	sdelay $0x3  }
0x96: {  	_ =	strace s2  }
0x97: {  	_ =	strace $0x8FFFFFFF  }
0x98: {  	s18 =	sld [smem:$0x3FDB];
	_ =	sdelay $0x1  }
0x99: {  	s19 =	simm.s32 $_scs_section_size  }
0x9a: {  	s4 =	simm.s32 $_size__tile_overlayer_lowered;
	s5 =	simm.s32 $_tile_overlayer_lowered  }
0x9b: {  	s22 =	simm.s32 $0x1BFF;
	s21 =	sshll.u32 s5, $0x1;
	s2 =	sadd.s32 s19, s18  }
0x9c: {  	s6 =	simm.s32 $0x0;
	s20 =	sshll.u32 s4, $0x1;
	s4 =	sadd.s32 s21, s2  }
0x9d: {  	[timem:s6], [sflag:s22] =	dma.local [hbm:s4], s20  }
0x9e: {  	_ =	swait.ge [sflag:s22], s20  }
0x9f: {  	s3 =	ssub.s32 $0x0, s20;
	[sflag:s22] =	ssyncset.done $0x0  }
0xa0: {  	[sflag:s22] =	ssyncadd.s32 s3;
	_ =	sdelay $0x1  }
0xa1: {  	s23 =	simm.s32 $0x1B8B  }
0xa2: {  	_ =	swait.ge [sflag:s23], $0x1  }
0xa3: {  	[sflag:s23] =	ssyncset.done $0x0  }
0xa4: {  	s25 =	simm.s32 $0x1B8E;
	s24 =	sld [smem:$0x3FFE];
	[sflag:s23] =	ssyncadd.s32 $0xFFFFFFFF  }
0xa5: {  	s26 =	simm.s32 $execute0_lowered;
	[smem:$0x3FD2] =	sst s25  }
0xa6: {  	s4 =	sshll.u32 s26, $0x1;
	_ =	strace $0x80000046;
	[dreg:$0x1] =	wrdreg $0xFFFFFFFF  }
0xa7: {  	s28 =	simm.s32 $_size_execute0_lowered;
	s2 =	sadd.s32 s2, s4;
	[dreg:$0x0] =	wrdreg $0x0  }
0xa8: {  	s4 =	sshll.u32 s28, $0x1;
	[dreg:$0x2] =	wrdreg s2  }
0xa9: {  	[dreg:$0x3] =	wrdreg s4  }
0xaa: {  	[dreg:$0x4] =	wrdreg $0xC0  }
0xab: {  	_ =	task [dreg:s6], $0x5FFFF  }
0xac: {  	[dreg:$0x1] =	wrdreg $0xFFFFFFFF  }
0xad: {  	[dreg:$0x0] =	wrdreg $0x60  }
0xae: {  	[dreg:$0x2] =	wrdreg s24  }
0xaf: {  	[dreg:$0x3] =	wrdreg $0x9  }
0xb0: {  	_ =	task.clear_ibuf [dreg:s6], $0x4FFFF;
	_ =	strace $0x90000046  }
0xb1: {  	s29 =	simm.s32 $0x9;
	_ =	strace $0x80000048  }
0xb2: {  	_ =	swait.ge [sflag:s29], $0x1  }
0xb3: {  	[sflag:s29] =	ssyncadd.s32 $0xFFFFFFFF  }
0xb4: {  	_ =	strace $0x90000048  }
0xb5: {  	_ =	sfence  }
0xb6: {  	s30 =	sld [smem:$0x0];
	_ =	sdelay $0x2  }
0xb7: {  	s31 =	sshll.u32 s1, $0xD;
	s1 =	sshrl.u32 s1, $0x2  }
0xb8: {  	s3 =	sand.u32 $0x4000, s31;
	s1 =	sadd.s32 s1, s30  }
0xb9: {  	s0 =	sor.u32 s3, s0;
	s1 =	sshll.u32 s1, $0x11  }
0xba: {  	s0 =	sor.u32 s1, s0  }
0xbb: {  	s0 =	sadd.s32 $0x8F2B, s0  }
0xbc: {  	[sflag:s0] =	ssyncadd.remote.s32 $0x1  }
0xbd: {  	_ =	sfence.sel $0xFFFF  }
0xbe: {  	[dreg:$0x0] =	wrdreg $0xFFFFFFFF;
	(pc) =	sbr.abs _section_cstart, $3  }
0xbf: {  	[dreg:$0x1] =	wrdreg $0xFFFFFFFF  }
0xc0: {  	_ =	task.clear_ibuf [dreg:s6], $0x2FFFF;
	_ =	strace $0x9FFFFFFF  }
0xc1: {  	(tm) =	ssettm $0x7FFFFFFF  }
tec
execute0_lowered:
.L_overlay_start_1:
0x0: {  	(tag) =	ssettag $0x1  }
0x1: {  	s0 =	rddreg [dreg:$0x0];
	s3 =	simm.s32 $0x0;
	s1 =	srdreg.scid  }
0x2: {  	s2 =	stileid.u32;
	s12 =	simm.s32 $0x5;
	s14 =	simm.s32 $0x50  }
0x3: {  	s17 =	simm.s32 $0x3520;
	s18 =	simm.s32 $0x10040;
	s30 =	simm.s32 $0x16440  }
0x4: {  	s16 =	simm.s32 $0x18C40;
	s6 =	simm.s32 $0x1A040;
	s13 =	simm.s32 $0x37F0  }
0x5: {  	s8 =	simm.s32 $0x1B440;
	s11 =	simm.s32 $0x1;
	s15 =	simm.s32 $0x40  }
0x6: {  	s19 =	simm.s32 $0x80;
	s20 =	simm.s32 $0x6A40;
	s21 =	simm.s32 $0xCE40  }
0x7: {  	s22 =	simm.s32 $0x2;
	s23 =	simm.s32 $0x13240;
	s24 =	simm.s32 $0x19640  }
0x8: {  	[smem:$0x7FF] =	sst s3;
	s1 =	sand.u32 $0x1, s1;
	s2 =	sshll.u32 s2, $0x1  }
0x9: {  	s3 =	sadd.s32 $0x1000, s0;
	s5 =	sadd.s32 $0x1A000, s0;
	s26 =	sadd.s32 $0x800, s0  }
0xa: {  	s7 =	sadd.s32 $0xDD600, s0;
	s2 =	sor.u32 s1, s2;
	s1 =	ssub.s32 $0x2, s1  }
0xb: {  	_ =	strace $0x80000047;
	s4 =	smul.u32 $0x6400, s2;
	s28 =	sshrl.u32 s1, $0x1  }
0xc: {  	[dreg:$0x2] =	wrdreg s26;
	s26 =	simm.s32 $0x0;
	s29 =	ssub.s32 s1, s28  }
0xd: {  	s2 =	simm.s32 $0x37A0;
	s31 =	sshrl.u32 s4, $0x3;
	s0 =	smax.u32 s29, $0x1  }
0xe: {  	s9 =	sor.u32 $0x320, s4;
	s1 =	sadd.s32 s3, s31;
	[dreg:$0x4] =	wrdreg s0  }
0xf: {  	s10 =	sadd.s32 $0x640, s4;
	[dreg:$0x3] =	wrdreg s1;
	s1 =	simm.s32 $0x3750  }
.LBB2_1:
0x10: {  	[dreg:$0x5] =	wrdreg s26  }
0x11: {  	s0 =	simm.s32 $0x0;
	s25 =	rddreg [dreg:$0x2]  }
0x12: {  	[tilespmem:s0], [sflag:$0x5] =	stream.linear.gather [hbm4b:s25+s0], $0x3200, $0x38;
	[tilespmem:$0x1C840] =	vst v63  }
0x13: {  	_ =	swait.ge [sflag:s12], $0x3200  }
0x14: {  	[sflag:s12] =	ssyncset.done $0x0  }
0x15: {  	s31 =	simm.s32 $0x3200;
	s29 =	rddreg [dreg:$0x3];
	[sflag:s12] =	ssyncadd.s32 $0xFFFFCE00  }
0x16: {  	[tilespmem:s31], [sflag:$0x5] =	stream.linear.gather [hbm4b:s29+s0], $0x320, $0x38;
	[tilespmem:$0x1C840] =	vst v63  }
0x17: {  	_ =	swait.ge [sflag:s12], $0x320  }
0x18: {  	[sflag:s12] =	ssyncset.done $0x0  }
0x19: {  	s28 =	simm.s32 $0x3840;
	[sflag:s12] =	ssyncadd.s32 $0xFFFFFCE0  }
0x1a: {  	[tilespmem:s28], [sflag:$0x1] =	stream.indirect.gather [hbm4b:s5+s14], $0x40, s31, s14, $0xb8;
	[tilespmem:$0x1C840] =	vst v63  }
0x1b: {  	s29 =	simm.s32 $0x3250;
	s31 =	simm.s32 $0x4C40  }
0x1c: {  	[tilespmem:s31], [sflag:$0x1] =	stream.indirect.gather [hbm4b:s5+s14], $0x40, s29, s14, $0xb8;
	[tilespmem:$0x1C840] =	vst v63  }
0x1d: {  	s26 =	simm.s32 $0x32A0;
	s28 =	simm.s32 $0x6040  }
0x1e: {  	[tilespmem:s28], [sflag:$0x1] =	stream.indirect.gather [hbm4b:s5+s14], $0x40, s26, s14, $0xb8;
	[tilespmem:$0x1C840] =	vst v63  }
0x1f: {  	s29 =	simm.s32 $0x32F0;
	s31 =	simm.s32 $0x7440  }
0x20: {  	[tilespmem:s31], [sflag:$0x1] =	stream.indirect.gather [hbm4b:s5+s14], $0x40, s29, s14, $0xb8;
	[tilespmem:$0x1C840] =	vst v63  }
0x21: {  	s26 =	simm.s32 $0x3340;
	s28 =	simm.s32 $0x8840  }
0x22: {  	[tilespmem:s28], [sflag:$0x1] =	stream.indirect.gather [hbm4b:s5+s14], $0x40, s26, s14, $0xb8;
	[tilespmem:$0x1C840] =	vst v63  }
0x23: {  	s29 =	simm.s32 $0x3390;
	s31 =	simm.s32 $0x9C40  }
0x24: {  	[tilespmem:s31], [sflag:$0x1] =	stream.indirect.gather [hbm4b:s5+s14], $0x40, s29, s14, $0xb8;
	[tilespmem:$0x1C840] =	vst v63  }
0x25: {  	s26 =	simm.s32 $0x33E0;
	s28 =	simm.s32 $0xB040  }
0x26: {  	[tilespmem:s28], [sflag:$0x1] =	stream.indirect.gather [hbm4b:s5+s14], $0x40, s26, s14, $0xb8;
	[tilespmem:$0x1C840] =	vst v63  }
0x27: {  	s29 =	simm.s32 $0x3430;
	s31 =	simm.s32 $0xC440  }
0x28: {  	[tilespmem:s31], [sflag:$0x1] =	stream.indirect.gather [hbm4b:s5+s14], $0x40, s29, s14, $0xb8;
	[tilespmem:$0x1C840] =	vst v63  }
0x29: {  	s26 =	simm.s32 $0x3480;
	s28 =	simm.s32 $0xD840  }
0x2a: {  	[tilespmem:s28], [sflag:$0x1] =	stream.indirect.gather [hbm4b:s5+s14], $0x40, s26, s14, $0xb8;
	[tilespmem:$0x1C840] =	vst v63  }
0x2b: {  	s29 =	simm.s32 $0x34D0;
	s31 =	simm.s32 $0xEC40;
	s26 =	simm.s32 $0x0  }
0x2c: {  	[tilespmem:s31], [sflag:$0x1] =	stream.indirect.gather [hbm4b:s5+s14], $0x40, s29, s14, $0xb8;
	[tilespmem:$0x1C840] =	vst v63  }
.LBB2_2:
0x2d: {  	p0 =	seq.s32 s26, $0x0  }
0x2e: {  	s29 =	simm.s32 @!p0 $0x4  }
0x2f: {  	_ =	swait.ge @!p0 [sflag:s29], $0x3200  }
0x30: {  	[sflag:s29] =	ssyncset.done @!p0 $0x0  }
0x31: {  	[sflag:s29] =	ssyncadd.s32 @!p0 $0xFFFFCE00  }
0x32: {  	_ =	swait.ge @!p0 [sflag:s29], $0x3200  }
0x33: {  	[sflag:s29] =	ssyncset.done @!p0 $0x0  }
0x34: {  	[sflag:s29] =	ssyncadd.s32 @!p0 $0xFFFFCE00  }
0x35: {  	_ =	swait.ge @!p0 [sflag:s29], $0x3200  }
0x36: {  	s28 =	smul.u32 $0x640, s26;
	[sflag:s29] =	ssyncset.done @!p0 $0x0  }
0x37: {  	[sflag:s29] =	ssyncadd.s32 @!p0 $0xFFFFCE00  }
0x38: {  	s25 =	sadd.s32 s28, s9;
	_ =	swait.ge @!p0 [sflag:s29], $0x3200  }
0x39: {  	s31 =	sshrl.u32 s25, $0x3;
	[sflag:s29] =	ssyncset.done @!p0 $0x0  }
0x3a: {  	[sflag:s29] =	ssyncadd.s32 @!p0 $0xFFFFCE00;
	s29 =	sadd.s32 s3, s31;
	s31 =	simm.s32 $0x0  }
0x3b: {  	[tilespmem:s17], [sflag:$0x5] =	stream.linear.gather [hbm4b:s29+s31], $0x320, $0x38;
	[tilespmem:$0x1C840] =	vst v63  }
0x3c: {  	_ =	swait.ge [sflag:s12], $0x320  }
0x3d: {  	[sflag:s12] =	ssyncset.done $0x0  }
0x3e: {  	[sflag:s12] =	ssyncadd.s32 $0xFFFFFCE0  }
0x3f: {  	[tilespmem:s18], [sflag:$0x2] =	stream.indirect.gather [hbm4b:s5+s14], $0x40, s17, s14, $0xb8;
	[tilespmem:$0x1C840] =	vst v63  }
0x40: {  	s0 =	simm.s32 $0x3570;
	s29 =	simm.s32 $0x11440  }
0x41: {  	[tilespmem:s29], [sflag:$0x2] =	stream.indirect.gather [hbm4b:s5+s14], $0x40, s0, s14, $0xb8;
	[tilespmem:$0x1C840] =	vst v63  }
0x42: {  	s0 =	simm.s32 $0x35C0;
	s29 =	simm.s32 $0x12840  }
0x43: {  	[tilespmem:s29], [sflag:$0x2] =	stream.indirect.gather [hbm4b:s5+s14], $0x40, s0, s14, $0xb8;
	[tilespmem:$0x1C840] =	vst v63  }
0x44: {  	s0 =	simm.s32 $0x3610;
	s29 =	simm.s32 $0x13C40  }
0x45: {  	[tilespmem:s29], [sflag:$0x2] =	stream.indirect.gather [hbm4b:s5+s14], $0x40, s0, s14, $0xb8;
	[tilespmem:$0x1C840] =	vst v63  }
0x46: {  	s0 =	simm.s32 $0x3660;
	s29 =	simm.s32 $0x15040  }
0x47: {  	[tilespmem:s29], [sflag:$0x2] =	stream.indirect.gather [hbm4b:s5+s14], $0x40, s0, s14, $0xb8;
	[tilespmem:$0x1C840] =	vst v63  }
0x48: {  	s0 =	simm.s32 $0x36B0  }
0x49: {  	[tilespmem:s30], [sflag:$0x2] =	stream.indirect.gather [hbm4b:s5+s14], $0x40, s0, s14, $0xb8;
	[tilespmem:$0x1C840] =	vst v63  }
0x4a: {  	s29 =	simm.s32 $0x17840;
	s0 =	simm.s32 $0x3700  }
0x4b: {  	[tilespmem:s29], [sflag:$0x2] =	stream.indirect.gather [hbm4b:s5+s14], $0x40, s0, s14, $0xb8;
	[tilespmem:$0x1C840] =	vst v63  }
0x4c: {  	_ = 	snop  }
0x4d: {  	[tilespmem:s16], [sflag:$0x2] =	stream.indirect.gather [hbm4b:s5+s14], $0x40, s1, s14, $0xb8;
	[tilespmem:$0x1C840] =	vst v63  }
0x4e: {  	_ = 	snop  }
0x4f: {  	[tilespmem:s6], [sflag:$0x2] =	stream.indirect.gather [hbm4b:s5+s14], $0x40, s2, s14, $0xb8;
	[tilespmem:$0x1C840] =	vst v63  }
0x50: {  	_ = 	snop  }
0x51: {  	[tilespmem:s8], [sflag:$0x2] =	stream.indirect.gather [hbm4b:s5+s14], $0x40, s13, s14, $0xb8;
	[tilespmem:$0x1C840] =	vst v63  }
0x52: {  	_ =	swait.ge [sflag:s11], $0x1400  }
0x53: {  	[sflag:s11] =	ssyncset.done $0x0  }
0x54: {  	[sflag:s11] =	ssyncadd.s32 $0xFFFFEC00  }
0x55: {  	_ =	swait.ge [sflag:s11], $0x1400  }
0x56: {  	[sflag:s11] =	ssyncset.done $0x0  }
0x57: {  	[sflag:s11] =	ssyncadd.s32 $0xFFFFEC00  }
0x58: {  	_ =	swait.ge [sflag:s11], $0x1400  }
0x59: {  	[sflag:s11] =	ssyncset.done $0x0  }
0x5a: {  	[sflag:s11] =	ssyncadd.s32 $0xFFFFEC00  }
0x5b: {  	_ =	swait.ge [sflag:s11], $0x1400  }
0x5c: {  	[sflag:s11] =	ssyncset.done $0x0  }
0x5d: {  	[sflag:s11] =	ssyncadd.s32 $0xFFFFEC00  }
0x5e: {  	_ =	swait.ge [sflag:s11], $0x1400  }
0x5f: {  	[sflag:s11] =	ssyncset.done $0x0  }
0x60: {  	[sflag:s11] =	ssyncadd.s32 $0xFFFFEC00  }
0x61: {  	_ =	swait.ge [sflag:s11], $0x1400  }
0x62: {  	[sflag:s11] =	ssyncset.done $0x0  }
0x63: {  	[sflag:s11] =	ssyncadd.s32 $0xFFFFEC00  }
0x64: {  	_ =	swait.ge [sflag:s11], $0x1400  }
0x65: {  	[sflag:s11] =	ssyncset.done $0x0  }
0x66: {  	[sflag:s11] =	ssyncadd.s32 $0xFFFFEC00  }
0x67: {  	_ =	swait.ge [sflag:s11], $0x1400  }
0x68: {  	[sflag:s11] =	ssyncset.done $0x0  }
0x69: {  	[sflag:s11] =	ssyncadd.s32 $0xFFFFEC00  }
0x6a: {  	_ =	swait.ge [sflag:s11], $0x1400  }
0x6b: {  	[sflag:s11] =	ssyncset.done $0x0  }
0x6c: {  	[sflag:s11] =	ssyncadd.s32 $0xFFFFEC00  }
0x6d: {  	_ =	swait.ge [sflag:s11], $0x1400  }
0x6e: {  	[sflag:s11] =	ssyncset.done $0x0  }
0x6f: {  	s29 =	simm.s32 $0x0;
	[sflag:s11] =	ssyncadd.s32 $0xFFFFEC00  }
0x70: {  	v3 =	vld [tilespmem:s29+$0x0]  }
0x71: {  	v2 =	vld [tilespmem:s29+$0x10]  }
0x72: {  	v1 =	vld [tilespmem:s29+$0x20]  }
0x73: {  	v0 =	vld [tilespmem:s29+$0x30]  }
0x74: {  	v4 =	vld [tilespmem:s29+$0x3840]  }
0x75: {  	v5 =	vld [tilespmem:s29+$0x3850]  }
0x76: {  	v6 =	vld [tilespmem:s29+$0x3860]  }
0x77: {  	v7 =	vld [tilespmem:s29+$0x3870]  }
0x78: {  	v8 =	vld [tilespmem:s29+$0x6A40]  }
0x79: {  	v9 =	vld [tilespmem:s29+$0x6A50];
	v4 =	vadd.f32 v4, v3  }
0x7a: {  	v10 =	vld [tilespmem:s29+$0x6A60];
	v5 =	vadd.f32 v5, v2  }
0x7b: {  	v11 =	vld [tilespmem:s29+$0x6A70];
	[tilespmem:s29+$0x3840] =	vst v4;
	v4 =	vadd.f32 v6, v1  }
0x7c: {  	v12 =	vld [tilespmem:s29+$0x9C40];
	[tilespmem:s29+$0x3850] =	vst v5;
	v5 =	vadd.f32 v7, v0  }
0x7d: {  	v13 =	vld [tilespmem:s29+$0x9C50];
	[tilespmem:s29+$0x3860] =	vst v4;
	v4 =	vadd.f32 v8, v3  }
0x7e: {  	v7 =	vld [tilespmem:s29+$0x9C60];
	[tilespmem:s29+$0x3870] =	vst v5;
	v5 =	vadd.f32 v9, v2  }
0x7f: {  	v6 =	vadd.f32 v10, v1;
	[tilespmem:s29+$0x6A40] =	vst v4;
	v4 =	vld [tilespmem:s29+$0x9C70]  }
0x80: {  	v8 =	vadd.f32 v11, v0;
	[tilespmem:s29+$0x6A50] =	vst v5;
	v5 =	vld [tilespmem:s29+$0xCE40]  }
0x81: {  	v10 =	vadd.f32 v12, v3;
	[tilespmem:s29+$0x6A60] =	vst v6;
	v6 =	vld [tilespmem:s29+$0xCE50]  }
0x82: {  	s31 =	simm.s32 $0x100;
	v9 =	vadd.f32 v13, v2;
	[tilespmem:s29+$0x6A70] =	vst v8;
	v8 =	vld [tilespmem:s29+$0xCE60]  }
.LBB2_3:
0x83: {  	s0 =	sshra.s32 s31, $0x2;
	p0 =	sne.s32 s31, $0xC700;
	[tilespmem:s29+$0x9C40] =	vst v10;
	v7 =	vadd.f32 v7, v1;
	v10 =	vld [tilespmem:s29+$0xCE70]  }
0x84: {  	v11 =	vld [tilespmem:s0+$0x0];
	[tilespmem:s29+$0x9C50] =	vst v9;
	v4 =	vadd.f32 v4, v0  }
0x85: {  	v9 =	vld [tilespmem:s0+$0x10];
	[tilespmem:s29+$0x9C60] =	vst v7;
	v3 =	vadd.f32 v5, v3  }
0x86: {  	v5 =	vld [tilespmem:s0+$0x20];
	[tilespmem:s29+$0x9C70] =	vst v4;
	v2 =	vadd.f32 v6, v2  }
0x87: {  	v4 =	vld [tilespmem:s0+$0x30];
	[tilespmem:s29+$0xCE40] =	vst v3;
	v1 =	vadd.f32 v8, v1  }
0x88: {  	v6 =	vld [tilespmem:s0+$0x3840];
	[tilespmem:s29+$0xCE50] =	vst v2;
	v0 =	vadd.f32 v10, v0  }
0x89: {  	v7 =	vld [tilespmem:s0+$0x3850];
	[tilespmem:s29+$0xCE60] =	vst v1;
	v3 =	vmov v11  }
0x8a: {  	v8 =	vld [tilespmem:s0+$0x3860];
	[tilespmem:s29+$0xCE70] =	vst v0;
	v2 =	vmov v9;
	s29 =	smov.u32 s0  }
0x8b: {  	v9 =	vld [tilespmem:s29+$0x3870];
	v1 =	vmov v5  }
0x8c: {  	v5 =	vld [tilespmem:s29+$0x6A40];
	v0 =	vmov v4  }
0x8d: {  	v4 =	vadd.f32 v6, v3;
	v6 =	vld [tilespmem:s29+$0x6A50]  }
0x8e: {  	v7 =	vadd.f32 v7, v2;
	v10 =	vld [tilespmem:s29+$0x6A60]  }
0x8f: {  	[tilespmem:s29+$0x3840] =	vst v4;
	v4 =	vadd.f32 v8, v1;
	v8 =	vld [tilespmem:s29+$0x6A70]  }
0x90: {  	[tilespmem:s29+$0x3850] =	vst v7;
	v7 =	vadd.f32 v9, v0;
	v9 =	vld [tilespmem:s29+$0x9C40]  }
0x91: {  	[tilespmem:s29+$0x3860] =	vst v4;
	v4 =	vadd.f32 v5, v3;
	v11 =	vld [tilespmem:s29+$0x9C50]  }
.Ltmp0:
0x92: {  	[tilespmem:s29+$0x3870] =	vst v7;
	v5 =	vadd.f32 v6, v2;
	v7 =	vld [tilespmem:s29+$0x9C60];
	(pc) =	sbr.rel @p0 .LBB2_3-.Ltmp0, $4  }
0x93: {  	[tilespmem:s29+$0x6A40] =	vst v4;
	v6 =	vadd.f32 v10, v1;
	v4 =	vld [tilespmem:s29+$0x9C70]  }
0x94: {  	[tilespmem:s29+$0x6A50] =	vst v5;
	v8 =	vadd.f32 v8, v0;
	v5 =	vld [tilespmem:s29+$0xCE40]  }
0x95: {  	[tilespmem:s29+$0x6A60] =	vst v6;
	v10 =	vadd.f32 v9, v3;
	v6 =	vld [tilespmem:s29+$0xCE50]  }
0x96: {  	s31 =	sadd.s32 $0x100, s31;
	[tilespmem:s29+$0x6A70] =	vst v8;
	v9 =	vadd.f32 v11, v2;
	v8 =	vld [tilespmem:s29+$0xCE60]  }
0x97: {  	s0 =	sadd.s32 s4, s28  }
0x98: {  	[tilespmem:s29+$0x9C40] =	vst v10;
	v7 =	vadd.f32 v7, v1;
	v10 =	vld [tilespmem:s29+$0xCE70];
	s0 =	smulhi.u32 $0x51EB851F, s0  }
0x99: {  	[tilespmem:s29+$0x9C50] =	vst v9;
	v4 =	vadd.f32 v4, v0  }
0x9a: {  	[tilespmem:s29+$0x9C60] =	vst v7;
	v3 =	vadd.f32 v5, v3;
	s0 =	sshrl.u32 s0, $0x6  }
0x9b: {  	[tilespmem:s29+$0x9C70] =	vst v4;
	v2 =	vadd.f32 v6, v2;
	s31 =	smul.u32 $0xC80, s0  }
0x9c: {  	[tilespmem:s29+$0xCE40] =	vst v3;
	v1 =	vadd.f32 v8, v1;
	s0 =	smul.u32 $0x6400, s0  }
0x9d: {  	[tilespmem:s29+$0xCE50] =	vst v2;
	v0 =	vadd.f32 v10, v0  }
0x9e: {  	[tilespmem:s29+$0xCE60] =	vst v1;
	s0 =	sshrl.u32 s0, $0x3  }
0x9f: {  	[tilespmem:s29+$0xCE70] =	vst v0;
	s29 =	sadd.s32 s7, s31;
	s31 =	simm.s32 $0x3840;
	s0 =	sadd.s32 s7, s0  }
0xa0: {  	[hbm4b:s29+s15] =	stream.strided.scatter [tilespmem:s31], [sflag:$0x3], $0x3200, s19, s15, $0x38;
	[tilespmem:$0x1C840] =	vst v63  }
0xa1: {  	s29 =	sadd.s32 $0xC80, s0  }
0xa2: {  	[hbm4b:s29+s15] =	stream.strided.scatter [tilespmem:s20], [sflag:$0x3], $0x3200, s19, s15, $0x38;
	[tilespmem:$0x1C840] =	vst v63  }
0xa3: {  	s31 =	simm.s32 $0x9C40;
	s29 =	sadd.s32 $0x1900, s0  }
0xa4: {  	[hbm4b:s29+s15] =	stream.strided.scatter [tilespmem:s31], [sflag:$0x3], $0x3200, s19, s15, $0x38;
	[tilespmem:$0x1C840] =	vst v63  }
0xa5: {  	p0 =	seq.s32 s26, $0xF;
	s0 =	sadd.s32 $0x2580, s0  }
0xa6: {  	[hbm4b:s0+s15] =	stream.strided.scatter [tilespmem:s21], [sflag:$0x3], $0x3200, s19, s15, $0x38;
	[tilespmem:$0x1C840] =	vst v63  }
0xa7: {  	s0 =	simm.s32 @!p0 $0x3  }
0xa8: {  	_ =	swait.ge @!p0 [sflag:s0], $0x3200  }
0xa9: {  	[sflag:s0] =	ssyncset.done @!p0 $0x0  }
0xaa: {  	[sflag:s0] =	ssyncadd.s32 @!p0 $0xFFFFCE00  }
0xab: {  	_ =	swait.ge @!p0 [sflag:s0], $0x3200  }
0xac: {  	[sflag:s0] =	ssyncset.done @!p0 $0x0  }
0xad: {  	[sflag:s0] =	ssyncadd.s32 @!p0 $0xFFFFCE00  }
0xae: {  	_ =	swait.ge @!p0 [sflag:s0], $0x3200  }
0xaf: {  	[sflag:s0] =	ssyncset.done @!p0 $0x0  }
0xb0: {  	[sflag:s0] =	ssyncadd.s32 @!p0 $0xFFFFCE00  }
0xb1: {  	_ =	swait.ge @!p0 [sflag:s0], $0x3200  }
0xb2: {  	s28 =	sadd.s32 @!p0 s28, s10;
	[sflag:s0] =	ssyncset.done @!p0 $0x0  }
0xb3: {  	[sflag:s0] =	ssyncadd.s32 @!p0 $0xFFFFCE00;
	s0 =	sshrl.u32 @!p0 s28, $0x3  }
0xb4: {  	s29 =	simm.s32 @!p0 $0x3200;
	s28 =	simm.s32 @!p0 $0x0;
	s0 =	sadd.s32 @!p0 s3, s0  }
0xb5: {  	[tilespmem:s29], [sflag:$0x5] =	stream.linear.gather @!p0 [hbm4b:s0+s28], $0x320, $0x38;
	[tilespmem:$0x1C840] =	vst v63  }
0xb6: {  	s0 =	simm.s32 @!p0 $0x5  }
0xb7: {  	_ =	swait.ge @!p0 [sflag:s0], $0x320  }
0xb8: {  	[sflag:s0] =	ssyncset.done @!p0 $0x0  }
0xb9: {  	s28 =	simm.s32 @!p0 $0x3840;
	[sflag:s0] =	ssyncadd.s32 @!p0 $0xFFFFFCE0;
	s0 =	simm.s32 @!p0 $0x50  }
0xba: {  	[tilespmem:s28], [sflag:$0x1] =	stream.indirect.gather @!p0 [hbm4b:s5+s0], $0x40, s29, s0, $0xb8;
	[tilespmem:$0x1C840] =	vst v63  }
0xbb: {  	s28 =	simm.s32 @!p0 $0x3250;
	s29 =	simm.s32 @!p0 $0x4C40  }
0xbc: {  	[tilespmem:s29], [sflag:$0x1] =	stream.indirect.gather @!p0 [hbm4b:s5+s0], $0x40, s28, s0, $0xb8;
	[tilespmem:$0x1C840] =	vst v63  }
0xbd: {  	s28 =	simm.s32 @!p0 $0x32A0;
	s29 =	simm.s32 @!p0 $0x6040  }
0xbe: {  	[tilespmem:s29], [sflag:$0x1] =	stream.indirect.gather @!p0 [hbm4b:s5+s0], $0x40, s28, s0, $0xb8;
	[tilespmem:$0x1C840] =	vst v63  }
0xbf: {  	s28 =	simm.s32 @!p0 $0x32F0;
	s29 =	simm.s32 @!p0 $0x7440  }
0xc0: {  	[tilespmem:s29], [sflag:$0x1] =	stream.indirect.gather @!p0 [hbm4b:s5+s0], $0x40, s28, s0, $0xb8;
	[tilespmem:$0x1C840] =	vst v63  }
0xc1: {  	s28 =	simm.s32 @!p0 $0x3340;
	s29 =	simm.s32 @!p0 $0x8840  }
0xc2: {  	[tilespmem:s29], [sflag:$0x1] =	stream.indirect.gather @!p0 [hbm4b:s5+s0], $0x40, s28, s0, $0xb8;
	[tilespmem:$0x1C840] =	vst v63  }
0xc3: {  	s28 =	simm.s32 @!p0 $0x3390;
	s29 =	simm.s32 @!p0 $0x9C40  }
0xc4: {  	[tilespmem:s29], [sflag:$0x1] =	stream.indirect.gather @!p0 [hbm4b:s5+s0], $0x40, s28, s0, $0xb8;
	[tilespmem:$0x1C840] =	vst v63  }
0xc5: {  	s28 =	simm.s32 @!p0 $0x33E0;
	s29 =	simm.s32 @!p0 $0xB040  }
0xc6: {  	[tilespmem:s29], [sflag:$0x1] =	stream.indirect.gather @!p0 [hbm4b:s5+s0], $0x40, s28, s0, $0xb8;
	[tilespmem:$0x1C840] =	vst v63  }
0xc7: {  	s28 =	simm.s32 @!p0 $0x3430;
	s29 =	simm.s32 @!p0 $0xC440  }
0xc8: {  	[tilespmem:s29], [sflag:$0x1] =	stream.indirect.gather @!p0 [hbm4b:s5+s0], $0x40, s28, s0, $0xb8;
	[tilespmem:$0x1C840] =	vst v63  }
0xc9: {  	s28 =	simm.s32 @!p0 $0x3480;
	s29 =	simm.s32 @!p0 $0xD840  }
0xca: {  	[tilespmem:s29], [sflag:$0x1] =	stream.indirect.gather @!p0 [hbm4b:s5+s0], $0x40, s28, s0, $0xb8;
	[tilespmem:$0x1C840] =	vst v63  }
0xcb: {  	s28 =	simm.s32 @!p0 $0x34D0;
	s29 =	simm.s32 @!p0 $0xEC40  }
0xcc: {  	[tilespmem:s29], [sflag:$0x1] =	stream.indirect.gather @!p0 [hbm4b:s5+s0], $0x40, s28, s0, $0xb8;
	[tilespmem:$0x1C840] =	vst v63  }
0xcd: {  	_ =	swait.ge [sflag:s22], $0x1400  }
0xce: {  	[sflag:s22] =	ssyncset.done $0x0  }
0xcf: {  	[sflag:s22] =	ssyncadd.s32 $0xFFFFEC00  }
0xd0: {  	_ =	swait.ge [sflag:s22], $0x1400  }
0xd1: {  	[sflag:s22] =	ssyncset.done $0x0  }
0xd2: {  	[sflag:s22] =	ssyncadd.s32 $0xFFFFEC00  }
0xd3: {  	_ =	swait.ge [sflag:s22], $0x1400  }
0xd4: {  	[sflag:s22] =	ssyncset.done $0x0  }
0xd5: {  	[sflag:s22] =	ssyncadd.s32 $0xFFFFEC00  }
0xd6: {  	_ =	swait.ge [sflag:s22], $0x1400  }
0xd7: {  	[sflag:s22] =	ssyncset.done $0x0  }
0xd8: {  	[sflag:s22] =	ssyncadd.s32 $0xFFFFEC00  }
0xd9: {  	_ =	swait.ge [sflag:s22], $0x1400  }
0xda: {  	[sflag:s22] =	ssyncset.done $0x0  }
0xdb: {  	[sflag:s22] =	ssyncadd.s32 $0xFFFFEC00  }
0xdc: {  	_ =	swait.ge [sflag:s22], $0x1400  }
0xdd: {  	[sflag:s22] =	ssyncset.done $0x0  }
0xde: {  	[sflag:s22] =	ssyncadd.s32 $0xFFFFEC00  }
0xdf: {  	_ =	swait.ge [sflag:s22], $0x1400  }
0xe0: {  	[sflag:s22] =	ssyncset.done $0x0  }
0xe1: {  	[sflag:s22] =	ssyncadd.s32 $0xFFFFEC00  }
0xe2: {  	_ =	swait.ge [sflag:s22], $0x1400  }
0xe3: {  	[sflag:s22] =	ssyncset.done $0x0  }
0xe4: {  	[sflag:s22] =	ssyncadd.s32 $0xFFFFEC00  }
0xe5: {  	_ =	swait.ge [sflag:s22], $0x1400  }
0xe6: {  	[sflag:s22] =	ssyncset.done $0x0  }
0xe7: {  	[sflag:s22] =	ssyncadd.s32 $0xFFFFEC00  }
0xe8: {  	_ =	swait.ge [sflag:s22], $0x1400  }
0xe9: {  	[sflag:s22] =	ssyncset.done $0x0  }
0xea: {  	s28 =	simm.s32 $0x0;
	[sflag:s22] =	ssyncadd.s32 $0xFFFFEC00  }
0xeb: {  	v3 =	vld [tilespmem:s28+$0x0]  }
0xec: {  	v2 =	vld [tilespmem:s28+$0x10]  }
0xed: {  	v1 =	vld [tilespmem:s28+$0x20]  }
0xee: {  	v0 =	vld [tilespmem:s28+$0x30]  }
0xef: {  	v4 =	vld [tilespmem:s28+$0x10040]  }
0xf0: {  	v5 =	vld [tilespmem:s28+$0x10050]  }
0xf1: {  	v6 =	vld [tilespmem:s28+$0x10060]  }
0xf2: {  	v7 =	vld [tilespmem:s28+$0x10070]  }
0xf3: {  	v8 =	vld [tilespmem:s28+$0x13240]  }
0xf4: {  	v9 =	vld [tilespmem:s28+$0x13250];
	v4 =	vadd.f32 v4, v3  }
0xf5: {  	v10 =	vld [tilespmem:s28+$0x13260];
	v5 =	vadd.f32 v5, v2  }
0xf6: {  	v11 =	vld [tilespmem:s28+$0x13270];
	[tilespmem:s28+$0x10040] =	vst v4;
	v4 =	vadd.f32 v6, v1  }
0xf7: {  	v12 =	vld [tilespmem:s28+$0x16440];
	[tilespmem:s28+$0x10050] =	vst v5;
	v5 =	vadd.f32 v7, v0  }
0xf8: {  	v13 =	vld [tilespmem:s28+$0x16450];
	[tilespmem:s28+$0x10060] =	vst v4;
	v4 =	vadd.f32 v8, v3  }
0xf9: {  	v6 =	vadd.f32 v9, v2;
	[tilespmem:s28+$0x10070] =	vst v5;
	v5 =	vld [tilespmem:s28+$0x16460]  }
0xfa: {  	v7 =	vadd.f32 v10, v1;
	[tilespmem:s28+$0x13240] =	vst v4;
	v4 =	vld [tilespmem:s28+$0x16470]  }
0xfb: {  	[tilespmem:s28+$0x13250] =	vst v6;
	v6 =	vld [tilespmem:s28+$0x19640];
	v8 =	vadd.f32 v11, v0  }
0xfc: {  	v10 =	vadd.f32 v12, v3;
	[tilespmem:s28+$0x13260] =	vst v7;
	v7 =	vld [tilespmem:s28+$0x19650]  }
0xfd: {  	s29 =	simm.s32 $0x100;
	v9 =	vadd.f32 v13, v2;
	[tilespmem:s28+$0x13270] =	vst v8;
	v8 =	vld [tilespmem:s28+$0x19660]  }
.LBB2_5:
0xfe: {  	s0 =	sshra.s32 s29, $0x2;
	p0 =	sne.s32 s29, $0xC700;
	[tilespmem:s28+$0x16440] =	vst v10;
	v5 =	vadd.f32 v5, v1;
	v10 =	vld [tilespmem:s28+$0x19670]  }
0xff: {  	v11 =	vld [tilespmem:s0+$0x0];
	[tilespmem:s28+$0x16450] =	vst v9;
	v4 =	vadd.f32 v4, v0  }
0x100: {  	v9 =	vld [tilespmem:s0+$0x10];
	[tilespmem:s28+$0x16460] =	vst v5;
	v3 =	vadd.f32 v6, v3  }
0x101: {  	v5 =	vld [tilespmem:s0+$0x20];
	[tilespmem:s28+$0x16470] =	vst v4;
	v2 =	vadd.f32 v7, v2  }
0x102: {  	v4 =	vld [tilespmem:s0+$0x30];
	[tilespmem:s28+$0x19640] =	vst v3;
	v1 =	vadd.f32 v8, v1  }
0x103: {  	v6 =	vld [tilespmem:s0+$0x10040];
	[tilespmem:s28+$0x19650] =	vst v2;
	v0 =	vadd.f32 v10, v0  }
0x104: {  	v7 =	vld [tilespmem:s0+$0x10050];
	[tilespmem:s28+$0x19660] =	vst v1;
	v3 =	vmov v11  }
0x105: {  	v8 =	vld [tilespmem:s0+$0x10060];
	[tilespmem:s28+$0x19670] =	vst v0;
	v2 =	vmov v9;
	s28 =	smov.u32 s0  }
0x106: {  	v9 =	vld [tilespmem:s28+$0x10070];
	v1 =	vmov v5  }
0x107: {  	v5 =	vld [tilespmem:s28+$0x13240];
	v0 =	vmov v4  }
0x108: {  	v4 =	vadd.f32 v6, v3;
	v6 =	vld [tilespmem:s28+$0x13250]  }
0x109: {  	v7 =	vadd.f32 v7, v2;
	v10 =	vld [tilespmem:s28+$0x13260]  }
0x10a: {  	[tilespmem:s28+$0x10040] =	vst v4;
	v4 =	vadd.f32 v8, v1;
	v8 =	vld [tilespmem:s28+$0x13270]  }
0x10b: {  	[tilespmem:s28+$0x10050] =	vst v7;
	v7 =	vadd.f32 v9, v0;
	v9 =	vld [tilespmem:s28+$0x16440]  }
0x10c: {  	[tilespmem:s28+$0x10060] =	vst v4;
	v4 =	vadd.f32 v5, v3;
	v11 =	vld [tilespmem:s28+$0x16450]  }
.Ltmp1:
0x10d: {  	[tilespmem:s28+$0x10070] =	vst v7;
	v6 =	vadd.f32 v6, v2;
	v5 =	vld [tilespmem:s28+$0x16460];
	(pc) =	sbr.rel @p0 .LBB2_5-.Ltmp1, $4  }
0x10e: {  	[tilespmem:s28+$0x13240] =	vst v4;
	v7 =	vadd.f32 v10, v1;
	v4 =	vld [tilespmem:s28+$0x16470]  }
0x10f: {  	[tilespmem:s28+$0x13250] =	vst v6;
	v8 =	vadd.f32 v8, v0;
	v6 =	vld [tilespmem:s28+$0x19640]  }
0x110: {  	[tilespmem:s28+$0x13260] =	vst v7;
	v10 =	vadd.f32 v9, v3;
	v7 =	vld [tilespmem:s28+$0x19650]  }
0x111: {  	s29 =	sadd.s32 $0x100, s29;
	[tilespmem:s28+$0x13270] =	vst v8;
	v9 =	vadd.f32 v11, v2;
	v8 =	vld [tilespmem:s28+$0x19660]  }
0x112: {  	[tilespmem:s28+$0x16440] =	vst v10;
	v5 =	vadd.f32 v5, v1;
	v61 =	vld [tilespmem:s28+$0x19670];
	s0 =	smulhi.u32 $0x51EB851F, s25  }
0x113: {  	[tilespmem:s28+$0x16450] =	vst v9;
	v4 =	vadd.f32 v4, v0  }
0x114: {  	[tilespmem:s28+$0x16460] =	vst v5;
	v3 =	vadd.f32 v6, v3;
	s0 =	sshrl.u32 s0, $0x6  }
0x115: {  	[tilespmem:s28+$0x16470] =	vst v4;
	v2 =	vadd.f32 v7, v2;
	s31 =	smul.u32 $0xC80, s0  }
0x116: {  	s0 =	smul.u32 $0x6400, s0;
	[tilespmem:s28+$0x19640] =	vst v3;
	v62 =	vadd.f32 v8, v1  }
0x117: {  	[tilespmem:s28+$0x19650] =	vst v2;
	v63 =	vadd.f32 v61, v0  }
0x118: {  	s0 =	sshrl.u32 s0, $0x3;
	[tilespmem:s28+$0x19660] =	vst v62  }
0x119: {  	s26 =	sadd.s32 $0x1, s26;
	s25 =	sadd.s32 s7, s31;
	s0 =	sadd.s32 s7, s0;
	[tilespmem:s28+$0x19670] =	vst v63  }
0x11a: {  	[hbm4b:s25+s15] =	stream.strided.scatter [tilespmem:s18], [sflag:$0x4], $0x3200, s19, s15, $0x38;
	[tilespmem:$0x1C840] =	vst v63  }
0x11b: {  	p0 =	sne.s32 s26, $0x10;
	s29 =	sadd.s32 $0xC80, s0  }
0x11c: {  	[hbm4b:s29+s15] =	stream.strided.scatter [tilespmem:s23], [sflag:$0x4], $0x3200, s19, s15, $0x38;
	[tilespmem:$0x1C840] =	vst v63  }
.Ltmp2:
0x11d: {  	_ = 	snop;
	(pc) =	sbr.rel @p0 .LBB2_2-.Ltmp2, $4  }
0x11e: {  	s31 =	sadd.s32 $0x1900, s0  }
0x11f: {  	[hbm4b:s31+s15] =	stream.strided.scatter [tilespmem:s30], [sflag:$0x4], $0x3200, s19, s15, $0x38;
	[tilespmem:$0x1C840] =	vst v63  }
0x120: {  	s0 =	sadd.s32 $0x2580, s0  }
0x121: {  	[hbm4b:s0+s15] =	stream.strided.scatter [tilespmem:s24], [sflag:$0x4], $0x3200, s19, s15, $0x38;
	[tilespmem:$0x1C840] =	vst v63  }
0x122: {  	s0 =	simm.s32 $0x3  }
0x123: {  	_ =	swait.ge [sflag:s0], $0x3200  }
0x124: {  	[sflag:s0] =	ssyncset.done $0x0  }
0x125: {  	[sflag:s0] =	ssyncadd.s32 $0xFFFFCE00  }
0x126: {  	_ =	swait.ge [sflag:s0], $0x3200  }
0x127: {  	[sflag:s0] =	ssyncset.done $0x0  }
0x128: {  	[sflag:s0] =	ssyncadd.s32 $0xFFFFCE00  }
0x129: {  	_ =	swait.ge [sflag:s0], $0x3200  }
0x12a: {  	[sflag:s0] =	ssyncset.done $0x0  }
0x12b: {  	[sflag:s0] =	ssyncadd.s32 $0xFFFFCE00  }
0x12c: {  	_ =	swait.ge [sflag:s0], $0x3200  }
0x12d: {  	[sflag:s0] =	ssyncset.done $0x0  }
0x12e: {  	s25 =	simm.s32 $0x4;
	[sflag:s0] =	ssyncadd.s32 $0xFFFFCE00  }
0x12f: {  	_ =	swait.ge [sflag:s25], $0x3200  }
0x130: {  	[sflag:s25] =	ssyncset.done $0x0  }
0x131: {  	[sflag:s25] =	ssyncadd.s32 $0xFFFFCE00  }
0x132: {  	_ =	swait.ge [sflag:s25], $0x3200  }
0x133: {  	[sflag:s25] =	ssyncset.done $0x0  }
0x134: {  	[sflag:s25] =	ssyncadd.s32 $0xFFFFCE00  }
0x135: {  	_ =	swait.ge [sflag:s25], $0x3200  }
0x136: {  	[sflag:s25] =	ssyncset.done $0x0  }
0x137: {  	[sflag:s25] =	ssyncadd.s32 $0xFFFFCE00  }
0x138: {  	_ =	swait.ge [sflag:s25], $0x3200  }
0x139: {  	s26 =	rddreg [dreg:$0x5]  }
0x13a: {  	s31 =	rddreg [dreg:$0x4];
	s26 =	sadd.s32 $0x1, s26  }
0x13b: {  	p0 =	sne.s32 s26, s31  }
.Ltmp3:
0x13c: {  	_ = 	snop;
	(pc) =	sbr.rel @p0 .LBB2_1-.Ltmp3, $3  }
0x13d: {  	_ =	sdelay $0x1  }
0x13e: {  	[sflag:s25] =	ssyncset.done $0x0  }
0x13f: {  	[sflag:s25] =	ssyncadd.s32 $0xFFFFCE00  }
0x140: {  	_ =	sfence.sel $0x180000  }
0x141: {  	[bflag:$0x0] =	sbarrier.arrive $0xFFFF  }
0x142: {  	_ =	strace $0x90000047  }
0x143: {  	s0 =	stileid.u32;
	[bflag:$0x2] =	sbarrier.arrive $0xFFFF  }
0x144: {  	p0 =	sne.s32 s0, $0x0;
	s0 =	rddreg [dreg:$0x1]  }
0x145: {  	s0 =	sadd.s32 @!p0 $0x100000, s0  }
0x146: {  	[sflag:s0] =	ssyncadd.tile.s32 @!p0 $0x1;
	_ =	shalt  }
.Lfunc_end2:
_tile_overlayer_lowered:
.L_overlay_start_2:
0x147: {  	(tag) =	ssettag $0x2  }
0x148: {  	s0 =	rddreg [dreg:$0x0];
	s2 =	stileid.u32  }
0x149: {  	s1 =	rddreg [dreg:$0x1];
	p0 =	sne.s32 s2, $0x0  }
0x14a: {  	s3 =	rddreg [dreg:$0x2];
	[bflag:$0x3] =	sbarrier.arrive $0xFFFF;
	s2 =	simm.s32 @!p0 $0x1C05  }
0x14b: {  	[timem:s3], [sflag:s2] =	dma.local @!p0 [hbm:s0], s1  }
0x14c: {  	s0 =	simm.s32 @!p0 $0x5  }
0x14d: {  	_ =	swait.ge @!p0 [sflag:s0], s1  }
0x14e: {  	s1 =	ssub.s32 @!p0 $0x0, s1;
	[sflag:s0] =	ssyncset.done @!p0 $0x0  }
0x14f: {  	[sflag:s0] =	ssyncadd.s32 @!p0 s1  }
0x150: {  	[bflag:$0x3] =	sbarrier.arrive $0xFFFF  }
0x151: {  	_ =	shalt  }

// kernel: sparse-core-data-format-call.cloned.1.call-start
scs
called_computation_lowered:
.L_overlay_start_0:
0x0: {  	s2 =	sld [smem:$0x3FD9]  }
0x1: {  	s3 =	sld [smem:$0x3FFE];
	_ =	sdelay $0x1  }
0x2: {  	s1 =	srdreg.scid  }
0x3: {  	s0 =	sand.u32 $0x1, s1  }
0x4: {  	s18 =	sshll.u32 s0, $0xA;
	s2 =	sadd.s32 s3, s2  }
0x5: {  	s2 =	sadd.s32 s2, s18  }
0x6: {  	[smem:$0x3FC5] =	sst s2  }
0x7: {  	_ = 	snop  }
0x8: {  	s2 =	sld [smem:$0x3FD0];
	(tm) =	ssettm $0x1  }
0x9: {  	s19 =	sld [smem:$0x3FFB];
	_ =	sdelay $0x3  }
0xa: {  	_ =	strace s19  }
0xb: {  	s3 =	sld [smem:$0x3FFC];
	_ =	sdelay $0x3  }
0xc: {  	_ =	strace s3  }
0xd: {  	s3 =	sld [smem:$0x3FFD];
	_ =	sdelay $0x3  }
0xe: {  	_ =	strace s3  }
0xf: {  	_ =	strace $0x8FFFFFFF  }
0x10: {  	s20 =	sld [smem:$0x3FDB];
	_ =	sdelay $0x1  }
0x11: {  	s4 =	simm.s32 $_scs_section_size  }
0x12: {  	s5 =	simm.s32 $_size__tile_overlayer_lowered;
	s6 =	simm.s32 $_tile_overlayer_lowered  }
0x13: {  	s23 =	simm.s32 $0x1BFF;
	s22 =	sshll.u32 s6, $0x1;
	s3 =	sadd.s32 s4, s20  }
0x14: {  	s7 =	simm.s32 $0x0;
	s21 =	sshll.u32 s5, $0x1;
	s5 =	sadd.s32 s22, s3  }
0x15: {  	[timem:s7], [sflag:s23] =	dma.local [hbm:s5], s21  }
0x16: {  	_ =	swait.ge [sflag:s23], s21  }
0x17: {  	s4 =	ssub.s32 $0x0, s21;
	[sflag:s23] =	ssyncset.done $0x0  }
0x18: {  	[sflag:s23] =	ssyncadd.s32 s4;
	_ =	sdelay $0x1  }
0x19: {  	s24 =	simm.s32 $0x1B8B  }
0x1a: {  	_ =	swait.ge [sflag:s24], $0x1  }
0x1b: {  	[sflag:s24] =	ssyncset.done $0x0  }
0x1c: {  	s26 =	simm.s32 $0x1B8E;
	s25 =	sld [smem:$0x3FFE];
	[sflag:s24] =	ssyncadd.s32 $0xFFFFFFFF  }
0x1d: {  	s27 =	simm.s32 $execute0_lowered;
	[smem:$0x3FD2] =	sst s26  }
0x1e: {  	s5 =	sshll.u32 s27, $0x1;
	_ =	strace $0x80000049;
	[dreg:$0x1] =	wrdreg $0xFFFFFFFF  }
0x1f: {  	s28 =	simm.s32 $_size_execute0_lowered;
	s3 =	sadd.s32 s3, s5;
	[dreg:$0x0] =	wrdreg $0x0  }
0x20: {  	s5 =	sshll.u32 s28, $0x1;
	[dreg:$0x2] =	wrdreg s3  }
0x21: {  	[dreg:$0x3] =	wrdreg s5  }
0x22: {  	[dreg:$0x4] =	wrdreg $0xC0  }
0x23: {  	_ =	task [dreg:s7], $0x5FFFF  }
0x24: {  	[dreg:$0x1] =	wrdreg $0xFFFFFFFF  }
0x25: {  	[dreg:$0x0] =	wrdreg $0x60  }
0x26: {  	[dreg:$0x2] =	wrdreg s25  }
0x27: {  	[dreg:$0x3] =	wrdreg s2  }
0x28: {  	[dreg:$0x4] =	wrdreg $0x9  }
0x29: {  	_ =	task.clear_ibuf [dreg:s7], $0x5FFFF;
	_ =	strace $0x90000049  }
0x2a: {  	s29 =	simm.s32 $0x9;
	_ =	strace $0x8000004B  }
0x2b: {  	_ =	swait.ge [sflag:s29], $0x1  }
0x2c: {  	[sflag:s29] =	ssyncadd.s32 $0xFFFFFFFF  }
0x2d: {  	_ =	strace $0x9000004B  }
0x2e: {  	_ =	sfence  }
0x2f: {  	s30 =	sld [smem:$0x0];
	_ =	sdelay $0x2  }
0x30: {  	s31 =	sshll.u32 s1, $0xD;
	s1 =	sshrl.u32 s1, $0x2  }
0x31: {  	s3 =	sand.u32 $0x4000, s31;
	s1 =	sadd.s32 s1, s30  }
0x32: {  	s0 =	sor.u32 s3, s0;
	s1 =	sshll.u32 s1, $0x11  }
0x33: {  	s0 =	sor.u32 s1, s0  }
0x34: {  	s0 =	sadd.s32 $0x8F2B, s0  }
0x35: {  	[sflag:s0] =	ssyncadd.remote.s32 $0x1  }
0x36: {  	_ =	sfence.sel $0xFFFF  }
0x37: {  	[dreg:$0x0] =	wrdreg $0xFFFFFFFF;
	(pc) =	sbr.abs _section_cstart, $3  }
0x38: {  	[dreg:$0x1] =	wrdreg $0xFFFFFFFF  }
0x39: {  	_ =	task.clear_ibuf [dreg:s7], $0x2FFFF;
	_ =	strace $0x9FFFFFFF  }
0x3a: {  	(tm) =	ssettm $0x7FFFFFFF  }
0x3b: {  	_ =	shalt  }
tec
execute0_lowered:
.L_overlay_start_1:
0x0: {  	(tag) =	ssettag $0x1  }
0x1: {  	s0 =	srdreg.scid  }
0x2: {  	s1 =	sshll.u32 s0, $0x4  }
0x3: {  	s0 =	stileid.u32;
	s1 =	sand.u32 $0x10, s1  }
0x4: {  	s1 =	sor.u32 s0, s1  }
0x5: {  	s6 =	rddreg [dreg:$0x0];
	s4 =	simm.s32 $0x1;
	s2 =	sshll.u32 s1, $0x7  }
0x6: {  	s7 =	simm.s32 $0x2;
	s12 =	simm.s32 $0x0;
	s1 =	ssub.s32 $0x1000, s2  }
0x7: {  	s8 =	simm.s32 $0x8000;
	s13 =	simm.s32 $0x0;
	s3 =	sand.u32 $0xF80, s1  }
0x8: {  	s9 =	simm.s32 $0x0;
	s5 =	sshrl.u32 s1, $0xC;
	p0 =	sne.s32 s3, $0x0  }
.Ltmp0:
0x9: {  	s1 =	rddreg [dreg:$0x2];
	s4 =	simm.s32 @!p0 $0x0;
	(pc) =	sbr.rel .LBB1_1-.Ltmp0, $4  }
0xa: {  	s11 =	simm.s32 $0x0;
	s3 =	rddreg [dreg:$0x1];
	s5 =	sadd.s32 s4, s5  }
0xb: {  	_ =	strace $0x8000004A;
	s4 =	simm.s32 $0x1;
	s5 =	smul.u32 $0xC8, s5  }
0xc: {  	s6 =	sadd.s32 $0xDD600, s6;
	s10 =	smov.u32 s2;
	[sflag:s4] =	ssyncpa.u1 $0x0  }
0xd: {  	p0 =	por $0x0, $0x0;
	[sflag:s7] =	ssyncpa.u1 $0x0;
	s7 =	sor.u32 $0x1, s5  }
.LBB1_4:
0xe: {  	s16 =	sshll.u32 s13, $0x3;
	s17 =	sand.u32 $0x78, s13  }
0xf: {  	s30 =	sand.u32 $0x7E00, s13;
	s12 =	sshll.u32 s12, $0xF;
	s16 =	sand.u32 $0xC00, s16  }
0x10: {  	[tilespmem:s15+$0x810 ss:$0x81] =	vst.msk $0xffff, v2;
	s31 =	sand.u32 $0x7, s13;
	s16 =	sor.u32 s17, s16;
	s17 =	sadd.s32 s3, s30  }
0x11: {  	[tilespmem:s15+$0x1020 ss:$0x81] =	vst.msk $0xffff, v0;
	s13 =	sshll.u32 s31, $0x12;
	s12 =	sadd.s32 s12, s17;
	s16 =	sshrl.u32 s16, $0x3  }
0x12: {  	[tilespmem:s15+$0x0 ss:$0x81] =	vst.msk $0xffff, v1;
	s13 =	sor.u32 $0x400, s13;
	s12 =	sadd.s32 s16, s12  }
0x13: {  	[hbm4b:s12+s13] =	stream.strided.scatter [tilespmem:s14], [sflag:$0x2], $0x2000, s8, s13, $0x20;
	[tilespmem:$0x8080] =	vst v63  }
.LBB1_5:
0x14: {  	s14 =	sadd.s32 $0x1, s9  }
0x15: {  	s12 =	sadd.s32 $0x1000, s10;
	s16 =	smov.u32 s10;
	p2 =	sgt.s32 s14, $0xC7  }
0x16: {  	s16 =	smov.u32 @p2 s12  }
0x17: {  	s14 =	simm.s32 @p2 $0x0;
	p2 =	sgt.s32 s16, $0xFFF  }
0x18: {  	s16 =	smov.u32 @p2 s2;
	p2 =	sne.s32 s11, s7  }
.Ltmp1:
0x19: {  	p1 =	slt.u32 s11, $0x2;
	(pc) =	sbr.rel @!p2 .LBB1_6-.Ltmp1, $4  }
0x1a: {  	s15 =	simm.s32 @!p1 $0x2  }
0x1b: {  	s13 =	smov.u32 s10;
	p0 =	por !p0, !p0;
	_ =	swait.ge @!p1 [sflag:s15], $0x2000  }
0x1c: {  	s12 =	smov.u32 s9;
	[sflag:s15] =	ssyncset.done @!p1 $0x0;
	s9 =	smov.u32 s14  }
0x1d: {  	s11 =	sadd.s32 $0x1, s11;
	[sflag:s15] =	ssyncadd.s32 @!p1 $0xFFFFE000;
	s10 =	smov.u32 s16  }
.LBB1_1:
0x1e: {  	p1 =	sge.u32 s11, s5  }
0x1f: {  	s14 =	sand.u32 @!p1 $0x1FFFFFF, s9  }
0x20: {  	s15 =	smulhi.u32 @!p1 $0x147AE15, s14;
	_ =	sdelay $0x1  }
0x21: {  	s15 =	smul.u32 @!p1 $0xC8, s15  }
0x22: {  	s16 =	sxor.u32 @!p1 $0xFFFFFFFF, s11;
	s17 =	smul.u32 @!p1 $0xC80, s10  }
0x23: {  	s31 =	sadd.s32 $0xFFFFFFFF, s11;
	s16 =	sshll.u32 @!p1 s16, $0xD;
	s14 =	ssub.s32 @!p1 s14, s15  }
0x24: {  	s15 =	sand.u32 @!p1 $0x2000, s16;
	s16 =	sadd.s32 @!p1 s6, s17;
	s14 =	sshll.u32 @!p1 s14, $0x4  }
0x25: {  	s17 =	simm.s32 @!p1 $0x6400;
	s14 =	sadd.s32 @!p1 s14, s16;
	s16 =	simm.s32 @!p1 $0x40  }
0x26: {  	[tilespmem:s15], [sflag:$0x1] =	stream.strided.gather @!p1 [hbm4b:s14+s16], $0x2000, s17, s16, $0x38;
	[tilespmem:$0x8080] =	vst v63  }
0x27: {  	p1 =	sge.u32 s31, s5  }
.Ltmp2:
0x28: {  	_ = 	snop;
	(pc) =	sbr.rel @p1 .LBB1_5-.Ltmp2, $1  }
0x29: {  	_ =	sdelay $0x3  }
0x2a: {  	s14 =	simm.s32 $0x1  }
0x2b: {  	_ =	swait.ge [sflag:s4], $0x2000;
	s14 =	simm.s32 @!p0 $0x0  }
0x2c: {  	[sflag:s4] =	ssyncset.done $0x0;
	s15 =	sshll.u32 s14, $0xD  }
0x2d: {  	[sflag:s4] =	ssyncadd.s32 $0xFFFFE000;
	s18 =	sor.u32 $0x20, s15  }
0x2e: {  	s14 =	smul.u32 $0x8100, s14;
	v3 =	vld [tilespmem:s18+$0x10]  }
0x2f: {  	s30 =	sand.u32 $0x1, s11;
	v2 =	vld [tilespmem:s18+$0xFFFFFFF0]  }
0x30: {  	s15 =	smul.u32 $0x8100, s30;
	s14 =	sshrl.u32 s14, $0x2;
	v0 =	vld [tilespmem:s18+$0x0]  }
0x31: {  	v1 =	vld [tilespmem:s18+$0xFFFFFFE0];
	s16 =	sor.u32 $0x4000, s14  }
0x32: {  	s31 =	sshrl.u32 s15, $0x2;
	s15 =	sadd.s32 $0x0, s16  }
0x33: {  	s17 =	simm.s32 $0x4;
	s18 =	sadd.s32 $0x40, s18;
	s14 =	sor.u32 $0x4000, s31;
	[tilespmem:s15+$0x1830 ss:$0x81] =	vst.msk $0xffff, v3  }
.LBB1_3:
0x34: {  	v3 =	vld [tilespmem:s18+$0x10];
	p1 =	sne.s32 s17, $0x1FC;
	[tilespmem:s15+$0x810 ss:$0x81] =	vst.msk $0xffff, v2;
	s19 =	smov.u32 s17;
	s17 =	sadd.s32 $0x4, s17  }
.Ltmp3:
0x35: {  	v2 =	vld [tilespmem:s18+$0xFFFFFFF0];
	[tilespmem:s15+$0x1020 ss:$0x81] =	vst.msk $0xffff, v0;
	(pc) =	sbr.rel @p1 .LBB1_3-.Ltmp3, $4  }
0x36: {  	v0 =	vld [tilespmem:s18+$0x0];
	[tilespmem:s15+$0x0 ss:$0x81] =	vst.msk $0xffff, v1  }
0x37: {  	s15 =	sshra.s32 s19, $0x2;
	v1 =	vld [tilespmem:s18+$0xFFFFFFE0]  }
0x38: {  	s15 =	sadd.s32 s15, s16  }
0x39: {  	s18 =	sadd.s32 $0x40, s18;
	[tilespmem:s15+$0x1830 ss:$0x81] =	vst.msk $0xffff, v3  }
.Ltmp4:
0x3a: {  	_ = 	snop;
	(pc) =	sbr.rel .LBB1_4-.Ltmp4, $1  }
0x3b: {  	_ =	sdelay $0x3  }
.LBB1_6:
0x3c: {  	_ =	sfence.sel $0x180000  }
0x3d: {  	s2 =	simm.s32 $0x1;
	[bflag:$0x0] =	sbarrier.arrive $0xFFFF  }
0x3e: {  	s31 =	simm.s32 $0x2;
	[sflag:s2] =	ssyncpa.u1 $0x1  }
0x3f: {  	[sflag:s31] =	ssyncpa.u1 $0x1  }
0x40: {  	p0 =	sne.s32 s0, $0x0;
	_ =	strace $0x9000004A  }
0x41: {  	s0 =	sadd.s32 @!p0 $0x100000, s1;
	[bflag:$0x2] =	sbarrier.arrive $0xFFFF  }
0x42: {  	[sflag:s0] =	ssyncadd.tile.s32 @!p0 $0x1;
	_ =	shalt  }
.Lfunc_end1:
_tile_overlayer_lowered:
.L_overlay_start_2:
0x43: {  	(tag) =	ssettag $0x2  }
0x44: {  	s0 =	rddreg [dreg:$0x0];
	s2 =	stileid.u32  }
0x45: {  	s1 =	rddreg [dreg:$0x1];
	p0 =	sne.s32 s2, $0x0  }
0x46: {  	s3 =	rddreg [dreg:$0x2];
	[bflag:$0x3] =	sbarrier.arrive $0xFFFF;
	s2 =	simm.s32 @!p0 $0x1C01  }
0x47: {  	[timem:s3], [sflag:s2] =	dma.local @!p0 [hbm:s0], s1  }
0x48: {  	s0 =	simm.s32 @!p0 $0x1  }
0x49: {  	_ =	swait.ge @!p0 [sflag:s0], s1  }
0x4a: {  	s1 =	ssub.s32 @!p0 $0x0, s1;
	[sflag:s0] =	ssyncset.done @!p0 $0x0  }
0x4b: {  	[sflag:s0] =	ssyncadd.s32 @!p0 s1  }
0x4c: {  	[bflag:$0x3] =	sbarrier.arrive $0xFFFF  }
0x4d: {  	_ =	shalt  }

</sc_bundles>
